<compile_context>
chip_gen: v7x
topology: tpu7x:2x2x1
jax: 0.10.2.dev20260603
libtpu: 0.0.44.dev20260713+nightly
codegen_flags: <defaults>
</compile_context>

<pallas_src>
import functools

import jax
import jax.numpy as jnp
from jax import lax
from jax.experimental import pallas as pl
from jax.experimental.pallas import tpu as pltpu
from jax.experimental.pallas import tpu_sc as plsc

VOCAB = 8192
D = 8192
B = 4096

NC = 2
NS = 16
NW = NC * NS
ROWS_PER_W = B // NW
CH = 1
NCHUNK = ROWS_PER_W // CH
NBUF = 8
LA = 5


def _sc_gather(table, idx):
    mesh = plsc.VectorSubcoreMesh(core_axis_name="c", subcore_axis_name="s")

    @functools.partial(
        pl.kernel,
        mesh=mesh,
        out_type=jax.ShapeDtypeStruct((B, D), jnp.float32),
        scratch_types=[
            pltpu.VMEM((NCHUNK, CH), jnp.int32),
        ]
        + [pltpu.VMEM((CH, D), jnp.float32)] * NBUF
        + [pltpu.SemaphoreType.DMA] * (2 * NBUF),
    )
    def k(table_hbm, idx_hbm, out_hbm, idx_v, *bufs_sems):
        bufs = bufs_sems[:NBUF]
        gsem = bufs_sems[NBUF : 2 * NBUF]
        wsem = bufs_sems[2 * NBUF :]
        wid = lax.axis_index("s") * NC + lax.axis_index("c")
        pltpu.sync_copy(idx_hbm.at[wid], idx_v)
        base = wid * ROWS_PER_W

        def gather(i, b):
            pltpu.async_copy(table_hbm.at[idx_v.at[i]], bufs[b], gsem[b])

        def wait_gather(i, b):
            pltpu.make_async_copy(table_hbm.at[pl.ds(0, CH)], bufs[b], gsem[b]).wait()

        def write(i, b):
            pltpu.async_copy(bufs[b], out_hbm.at[pl.ds(base + i * CH, CH)], wsem[b])

        def wait_write(i, b):
            pltpu.make_async_copy(
                bufs[b], out_hbm.at[pl.ds(0, CH)], wsem[b]
            ).wait()

        for i in range(LA):
            gather(i, i % NBUF)

        def body(g, carry):
            i0 = NBUF * g
            for b in range(NBUF):
                i = i0 + b
                b2 = (b + LA) % NBUF
                wait_gather(i, b)
                write(i, b)
                @pl.when(i + LA < NCHUNK)
                def _(i=i, b2=b2):
                    @pl.when(i + LA >= NBUF)
                    def _():
                        wait_write(i + LA - NBUF, b2)

                    gather(i + LA, b2)

            return carry

        lax.fori_loop(0, NCHUNK // NBUF, body, 0)
        for i in range(NCHUNK - NBUF, NCHUNK):
            wait_write(i, i % NBUF)

    return k(table, idx)


def kernel(x, table):
    idx = x.reshape(-1).astype(jnp.int32).reshape(NW, NCHUNK, CH)
    return _sc_gather(table, idx)

# --- scband reference (transcript-rebuilt; emitter-appended) ---
"""Pipeline reference for scband-pytorch-bigram-50079318671521 (READ-ONLY COPY).

The authoritative reference and input builder live on the scoring server;
editing this copy changes nothing except your own understanding.
"""

import jax, jax.numpy as jnp
import numpy as np

VOCAB = 8192
B = 4096
T = 1

def setup_inputs(seed: int = 0) -> dict:
    key = jax.random.key(seed)
    k_idx, k_tab = jax.random.split(key)
    x = jax.random.randint(k_idx, (B, T), 0, VOCAB, dtype=jnp.int64) if jax.config.jax_enable_x64 else jax.random.randint(k_idx, (B, T), 0, VOCAB, dtype=jnp.int32)
    table = jax.random.normal(k_tab, (VOCAB, VOCAB), dtype=jnp.float32)
    return {"x": x, "table": table}

def reference(x, table):
    # logits = embedding_layer(x): gather rows of the (vocab, vocab) table
    logits = jnp.take(table, x, axis=0)  # (B, T, C)
    Bv, Tv, Cv = logits.shape
    logits = logits.reshape(Bv * Tv, Cv)
    return logits

if __name__ == "__main__":
    import jax
    _d = setup_inputs()
    print(jax.jit(kernel)(*tuple(_d.values())))

</pallas_src>

<mosaic_0001>
#map = affine_map<(d0, d1) -> (0, 0)>
#map1 = affine_map<(d0, d1) -> (0, 0, 0)>
module attributes {stable_mosaic.version = 14 : i64} {
  func.func @k(%arg0: i32, %arg1: i32, %arg2: memref<8192x8192xf32, #tpu.memory_space<hbm>>, %arg3: memref<32x128x1xi32, #tpu.memory_space<hbm>>, %arg4: memref<4096x8192xf32, #tpu.memory_space<hbm>>, %arg5: memref<128x1xi32, #tpu.memory_space<vmem>>, %arg6: memref<1x8192xf32, #tpu.memory_space<vmem>>, %arg7: memref<1x8192xf32, #tpu.memory_space<vmem>>, %arg8: memref<1x8192xf32, #tpu.memory_space<vmem>>, %arg9: memref<1x8192xf32, #tpu.memory_space<vmem>>, %arg10: memref<1x8192xf32, #tpu.memory_space<vmem>>, %arg11: memref<1x8192xf32, #tpu.memory_space<vmem>>, %arg12: memref<1x8192xf32, #tpu.memory_space<vmem>>, %arg13: memref<1x8192xf32, #tpu.memory_space<vmem>>, %arg14: memref<!tpu.dma_semaphore, #tpu.memory_space<semaphore_mem>>, %arg15: memref<!tpu.dma_semaphore, #tpu.memory_space<semaphore_mem>>, %arg16: memref<!tpu.dma_semaphore, #tpu.memory_space<semaphore_mem>>, %arg17: memref<!tpu.dma_semaphore, #tpu.memory_space<semaphore_mem>>, %arg18: memref<!tpu.dma_semaphore, #tpu.memory_space<semaphore_mem>>, %arg19: memref<!tpu.dma_semaphore, #tpu.memory_space<semaphore_mem>>, %arg20: memref<!tpu.dma_semaphore, #tpu.memory_space<semaphore_mem>>, %arg21: memref<!tpu.dma_semaphore, #tpu.memory_space<semaphore_mem>>, %arg22: memref<!tpu.dma_semaphore, #tpu.memory_space<semaphore_mem>>, %arg23: memref<!tpu.dma_semaphore, #tpu.memory_space<semaphore_mem>>, %arg24: memref<!tpu.dma_semaphore, #tpu.memory_space<semaphore_mem>>, %arg25: memref<!tpu.dma_semaphore, #tpu.memory_space<semaphore_mem>>, %arg26: memref<!tpu.dma_semaphore, #tpu.memory_space<semaphore_mem>>, %arg27: memref<!tpu.dma_semaphore, #tpu.memory_space<semaphore_mem>>, %arg28: memref<!tpu.dma_semaphore, #tpu.memory_space<semaphore_mem>>, %arg29: memref<!tpu.dma_semaphore, #tpu.memory_space<semaphore_mem>>) attributes {dimension_semantics = [#tpu.dimension_semantics<core_parallel>, #tpu.dimension_semantics<subcore_parallel>], iteration_bounds = array<i64: 2, 16>, scalar_prefetch = 0 : i64, scratch_operands = 25 : i64, tpu.core_type = #tpu.core_type<sc_vector_subcore>, window_params = [{transform_indices = #map}, {transform_indices = #map1}, {transform_indices = #map}]} {
    %mul3A = arith.constant 2 : i32
    %mul3A_0 = arith.muli %arg1, %mul3A : i32
    %add3A = arith.addi %mul3A_0, %arg0 : i32
    "tpu.region"() ({
      %run_scoped3A = tpu.sem_alloc : memref<!tpu.dma_semaphore, #tpu.memory_space<semaphore_mem>>
      %dma_start3A_89 = arith.constant 0 : i32
      %dma_start3A_90 = arith.constant 0 : i32
      %dma_start3A_91 = tpu.memref_slice %arg3[%add3A, %dma_start3A_89, %dma_start3A_90] : memref<32x128x1xi32, #tpu.memory_space<hbm>> -> memref<1x128x1xi32, #tpu.memory_space<hbm>>
      %dma_start3A_92 = tpu.memref_squeeze %dma_start3A_91 : memref<1x128x1xi32, #tpu.memory_space<hbm>> -> memref<128x1xi32, #tpu.memory_space<hbm>>
      %dma_start3A_93 = arith.constant 0 : i32
      %dma_start3A_94 = arith.constant 0 : i32
      %dma_start3A_95 = tpu.memref_slice %arg3[%add3A, %dma_start3A_93, %dma_start3A_94] : memref<32x128x1xi32, #tpu.memory_space<hbm>> -> memref<1x128x1xi32, #tpu.memory_space<hbm>>
      %dma_start3A_96 = tpu.memref_squeeze %dma_start3A_95 : memref<1x128x1xi32, #tpu.memory_space<hbm>> -> memref<128x1xi32, #tpu.memory_space<hbm>>
      tpu.enqueue_dma source(%dma_start3A_96 : memref<128x1xi32, #tpu.memory_space<hbm>>) target(%arg5 : memref<128x1xi32, #tpu.memory_space<vmem>>) target_semaphore(%run_scoped3A : memref<!tpu.dma_semaphore, #tpu.memory_space<semaphore_mem>>)
      %dma_wait3A_97 = arith.constant 0 : i32
      %dma_wait3A_98 = arith.constant 0 : i32
      %dma_wait3A_99 = tpu.memref_slice %arg3[%add3A, %dma_wait3A_97, %dma_wait3A_98] : memref<32x128x1xi32, #tpu.memory_space<hbm>> -> memref<1x128x1xi32, #tpu.memory_space<hbm>>
      %dma_wait3A_100 = tpu.memref_squeeze %dma_wait3A_99 : memref<1x128x1xi32, #tpu.memory_space<hbm>> -> memref<128x1xi32, #tpu.memory_space<hbm>>
      %dma_wait3A_101 = arith.constant 0 : i32
      %dma_wait3A_102 = arith.constant 0 : i32
      %dma_wait3A_103 = tpu.memref_slice %arg3[%add3A, %dma_wait3A_101, %dma_wait3A_102] : memref<32x128x1xi32, #tpu.memory_space<hbm>> -> memref<1x128x1xi32, #tpu.memory_space<hbm>>
      %dma_wait3A_104 = tpu.memref_squeeze %dma_wait3A_103 : memref<1x128x1xi32, #tpu.memory_space<hbm>> -> memref<128x1xi32, #tpu.memory_space<hbm>>
      tpu.wait_dma2 semaphore(%run_scoped3A : memref<!tpu.dma_semaphore, #tpu.memory_space<semaphore_mem>>) src(%dma_wait3A_104 : memref<128x1xi32, #tpu.memory_space<hbm>>) dst(%arg5 : memref<128x1xi32, #tpu.memory_space<vmem>>)
      tpu.yield
    }) : () -> ()
    %mul3A_1 = arith.constant 128 : i32
    %mul3A_2 = arith.muli %add3A, %mul3A_1 : i32
    %dma_start3A = arith.constant 0 : i32
    %dma_start3A_3 = arith.constant 0 : i32
    %dma_start3A_4 = tpu.memref_slice %arg5[%dma_start3A, %dma_start3A_3] : memref<128x1xi32, #tpu.memory_space<vmem>> -> memref<1x1xi32, #tpu.memory_space<vmem>>
    %dma_start3A_5 = tpu.memref_squeeze %dma_start3A_4 : memref<1x1xi32, #tpu.memory_space<vmem>> -> memref<1xi32, #tpu.memory_space<vmem>>
    %dma_start3A_6 = arith.constant 0 : i32
    %dma_start3A_7 = arith.constant 0 : i32
    %dma_start3A_8 = tpu.memref_slice %arg2[%dma_start3A_6, %dma_start3A_7] : memref<8192x8192xf32, #tpu.memory_space<hbm>> -> memref<8192x8192xf32, #tpu.memory_space<hbm>>
    tpu.enqueue_indirect_dma source(%dma_start3A_8 : memref<8192x8192xf32, #tpu.memory_space<hbm>>) target(%arg6 : memref<1x8192xf32, #tpu.memory_space<vmem>>) offsets(%dma_start3A_5 : memref<1xi32, #tpu.memory_space<vmem>>) semaphore(%arg14 : memref<!tpu.dma_semaphore, #tpu.memory_space<semaphore_mem>>)
    %dma_start3A_9 = arith.constant 1 : i32
    %dma_start3A_10 = arith.constant 0 : i32
    %dma_start3A_11 = tpu.memref_slice %arg5[%dma_start3A_9, %dma_start3A_10] : memref<128x1xi32, #tpu.memory_space<vmem>> -> memref<1x1xi32, #tpu.memory_space<vmem>>
    %dma_start3A_12 = tpu.memref_squeeze %dma_start3A_11 : memref<1x1xi32, #tpu.memory_space<vmem>> -> memref<1xi32, #tpu.memory_space<vmem>>
    %dma_start3A_13 = arith.constant 0 : i32
    %dma_start3A_14 = arith.constant 0 : i32
    %dma_start3A_15 = tpu.memref_slice %arg2[%dma_start3A_13, %dma_start3A_14] : memref<8192x8192xf32, #tpu.memory_space<hbm>> -> memref<8192x8192xf32, #tpu.memory_space<hbm>>
    tpu.enqueue_indirect_dma source(%dma_start3A_15 : memref<8192x8192xf32, #tpu.memory_space<hbm>>) target(%arg7 : memref<1x8192xf32, #tpu.memory_space<vmem>>) offsets(%dma_start3A_12 : memref<1xi32, #tpu.memory_space<vmem>>) semaphore(%arg15 : memref<!tpu.dma_semaphore, #tpu.memory_space<semaphore_mem>>)
    %dma_start3A_16 = arith.constant 2 : i32
    %dma_start3A_17 = arith.constant 0 : i32
    %dma_start3A_18 = tpu.memref_slice %arg5[%dma_start3A_16, %dma_start3A_17] : memref<128x1xi32, #tpu.memory_space<vmem>> -> memref<1x1xi32, #tpu.memory_space<vmem>>
    %dma_start3A_19 = tpu.memref_squeeze %dma_start3A_18 : memref<1x1xi32, #tpu.memory_space<vmem>> -> memref<1xi32, #tpu.memory_space<vmem>>
    %dma_start3A_20 = arith.constant 0 : i32
    %dma_start3A_21 = arith.constant 0 : i32
    %dma_start3A_22 = tpu.memref_slice %arg2[%dma_start3A_20, %dma_start3A_21] : memref<8192x8192xf32, #tpu.memory_space<hbm>> -> memref<8192x8192xf32, #tpu.memory_space<hbm>>
    tpu.enqueue_indirect_dma source(%dma_start3A_22 : memref<8192x8192xf32, #tpu.memory_space<hbm>>) target(%arg8 : memref<1x8192xf32, #tpu.memory_space<vmem>>) offsets(%dma_start3A_19 : memref<1xi32, #tpu.memory_space<vmem>>) semaphore(%arg16 : memref<!tpu.dma_semaphore, #tpu.memory_space<semaphore_mem>>)
    %dma_start3A_23 = arith.constant 3 : i32
    %dma_start3A_24 = arith.constant 0 : i32
    %dma_start3A_25 = tpu.memref_slice %arg5[%dma_start3A_23, %dma_start3A_24] : memref<128x1xi32, #tpu.memory_space<vmem>> -> memref<1x1xi32, #tpu.memory_space<vmem>>
    %dma_start3A_26 = tpu.memref_squeeze %dma_start3A_25 : memref<1x1xi32, #tpu.memory_space<vmem>> -> memref<1xi32, #tpu.memory_space<vmem>>
    %dma_start3A_27 = arith.constant 0 : i32
    %dma_start3A_28 = arith.constant 0 : i32
    %dma_start3A_29 = tpu.memref_slice %arg2[%dma_start3A_27, %dma_start3A_28] : memref<8192x8192xf32, #tpu.memory_space<hbm>> -> memref<8192x8192xf32, #tpu.memory_space<hbm>>
    tpu.enqueue_indirect_dma source(%dma_start3A_29 : memref<8192x8192xf32, #tpu.memory_space<hbm>>) target(%arg9 : memref<1x8192xf32, #tpu.memory_space<vmem>>) offsets(%dma_start3A_26 : memref<1xi32, #tpu.memory_space<vmem>>) semaphore(%arg17 : memref<!tpu.dma_semaphore, #tpu.memory_space<semaphore_mem>>)
    %dma_start3A_30 = arith.constant 4 : i32
    %dma_start3A_31 = arith.constant 0 : i32
    %dma_start3A_32 = tpu.memref_slice %arg5[%dma_start3A_30, %dma_start3A_31] : memref<128x1xi32, #tpu.memory_space<vmem>> -> memref<1x1xi32, #tpu.memory_space<vmem>>
    %dma_start3A_33 = tpu.memref_squeeze %dma_start3A_32 : memref<1x1xi32, #tpu.memory_space<vmem>> -> memref<1xi32, #tpu.memory_space<vmem>>
    %dma_start3A_34 = arith.constant 0 : i32
    %dma_start3A_35 = arith.constant 0 : i32
    %dma_start3A_36 = tpu.memref_slice %arg2[%dma_start3A_34, %dma_start3A_35] : memref<8192x8192xf32, #tpu.memory_space<hbm>> -> memref<8192x8192xf32, #tpu.memory_space<hbm>>
    tpu.enqueue_indirect_dma source(%dma_start3A_36 : memref<8192x8192xf32, #tpu.memory_space<hbm>>) target(%arg10 : memref<1x8192xf32, #tpu.memory_space<vmem>>) offsets(%dma_start3A_33 : memref<1xi32, #tpu.memory_space<vmem>>) semaphore(%arg18 : memref<!tpu.dma_semaphore, #tpu.memory_space<semaphore_mem>>)
    %scan3A = arith.constant 0 : i32
    %scan3A_37 = arith.constant 0 : i32
    %scan3A_38 = arith.constant 16 : i32
    %scan3A_39 = arith.addi %scan3A_37, %scan3A_38 : i32
    %scan3A_40 = arith.constant 1 : i32
    scf.for %scan3A_89 = %scan3A_37 to %scan3A_39 step %scan3A_40  : i32 {
      %mul3A_90 = arith.constant 8 : i32
      %mul3A_91 = arith.muli %mul3A_90, %scan3A_89 : i32
      %add3A_92 = arith.constant 0 : i32
      %add3A_93 = arith.addi %mul3A_91, %add3A_92 : i32
      %dma_wait3A_94 = arith.constant 0 : i32
      %dma_wait3A_95 = arith.constant 0 : i32
      %dma_wait3A_96 = tpu.memref_slice %arg2[%dma_wait3A_94, %dma_wait3A_95] : memref<8192x8192xf32, #tpu.memory_space<hbm>> -> memref<1x8192xf32, #tpu.memory_space<hbm>>
      %dma_wait3A_97 = arith.constant 0 : i32
      %dma_wait3A_98 = arith.constant 0 : i32
      %dma_wait3A_99 = tpu.memref_slice %arg2[%dma_wait3A_97, %dma_wait3A_98] : memref<8192x8192xf32, #tpu.memory_space<hbm>> -> memref<1x8192xf32, #tpu.memory_space<hbm>>
      tpu.wait_dma2 semaphore(%arg14 : memref<!tpu.dma_semaphore, #tpu.memory_space<semaphore_mem>>) src(%dma_wait3A_99 : memref<1x8192xf32, #tpu.memory_space<hbm>>) dst(%arg6 : memref<1x8192xf32, #tpu.memory_space<vmem>>)
      %mul3A_100 = arith.constant 1 : i32
      %mul3A_101 = arith.muli %add3A_93, %mul3A_100 : i32
      %add3A_102 = arith.addi %mul3A_2, %mul3A_101 : i32
      %dma_start3A_103 = arith.constant 0 : i32
      %dma_start3A_104 = tpu.memref_slice %arg4[%add3A_102, %dma_start3A_103] : memref<4096x8192xf32, #tpu.memory_space<hbm>> -> memref<1x8192xf32, #tpu.memory_space<hbm>>
      %dma_start3A_105 = arith.constant 0 : i32
      %dma_start3A_106 = tpu.memref_slice %arg4[%add3A_102, %dma_start3A_105] : memref<4096x8192xf32, #tpu.memory_space<hbm>> -> memref<1x8192xf32, #tpu.memory_space<hbm>>
      tpu.enqueue_dma source(%arg6 : memref<1x8192xf32, #tpu.memory_space<vmem>>) target(%dma_start3A_106 : memref<1x8192xf32, #tpu.memory_space<hbm>>) target_semaphore(%arg22 : memref<!tpu.dma_semaphore, #tpu.memory_space<semaphore_mem>>)
      %add3A_107 = arith.constant 5 : i32
      %add3A_108 = arith.addi %add3A_93, %add3A_107 : i32
      %lt3A = arith.constant 128 : i32
      %lt3A_109 = arith.cmpi slt, %add3A_108, %lt3A : i32
      %convert_element_type3A = arith.extui %lt3A_109 : i1 to i32
      %cond3A = arith.constant 0 : i32
      %cond3A_110 = arith.cmpi ne, %convert_element_type3A, %cond3A : i32
      scf.if %cond3A_110 {
        %add3A_265 = arith.constant 5 : i32
        %add3A_266 = arith.addi %add3A_93, %add3A_265 : i32
        %ge3A = arith.constant 8 : i32
        %ge3A_267 = arith.cmpi sge, %add3A_266, %ge3A : i32
        %convert_element_type3A_268 = arith.extui %ge3A_267 : i1 to i32
        %cond3A_269 = arith.constant 0 : i32
        %cond3A_270 = arith.cmpi ne, %convert_element_type3A_268, %cond3A_269 : i32
        scf.if %cond3A_270 {
          %add3A_279 = arith.constant 5 : i32
          %add3A_280 = arith.addi %add3A_93, %add3A_279 : i32
          %sub3A = arith.constant 8 : i32
          %sub3A_281 = arith.subi %add3A_280, %sub3A : i32
          %dma_wait3A_282 = arith.constant 0 : i32
          %dma_wait3A_283 = arith.constant 0 : i32
          %dma_wait3A_284 = tpu.memref_slice %arg4[%dma_wait3A_282, %dma_wait3A_283] : memref<4096x8192xf32, #tpu.memory_space<hbm>> -> memref<1x8192xf32, #tpu.memory_space<hbm>>
          %dma_wait3A_285 = arith.constant 0 : i32
          %dma_wait3A_286 = arith.constant 0 : i32
          %dma_wait3A_287 = tpu.memref_slice %arg4[%dma_wait3A_285, %dma_wait3A_286] : memref<4096x8192xf32, #tpu.memory_space<hbm>> -> memref<1x8192xf32, #tpu.memory_space<hbm>>
          tpu.wait_dma2 semaphore(%arg27 : memref<!tpu.dma_semaphore, #tpu.memory_space<semaphore_mem>>) src(%arg11 : memref<1x8192xf32, #tpu.memory_space<vmem>>) dst(%dma_wait3A_287 : memref<1x8192xf32, #tpu.memory_space<hbm>>)
        } else {
        }
        %add3A_271 = arith.constant 5 : i32
        %add3A_272 = arith.addi %add3A_93, %add3A_271 : i32
        %dma_start3A_273 = arith.constant 0 : i32
        %dma_start3A_274 = tpu.memref_slice %arg5[%add3A_272, %dma_start3A_273] : memref<128x1xi32, #tpu.memory_space<vmem>> -> memref<1x1xi32, #tpu.memory_space<vmem>>
        %dma_start3A_275 = tpu.memref_squeeze %dma_start3A_274 : memref<1x1xi32, #tpu.memory_space<vmem>> -> memref<1xi32, #tpu.memory_space<vmem>>
        %dma_start3A_276 = arith.constant 0 : i32
        %dma_start3A_277 = arith.constant 0 : i32
        %dma_start3A_278 = tpu.memref_slice %arg2[%dma_start3A_276, %dma_start3A_277] : memref<8192x8192xf32, #tpu.memory_space<hbm>> -> memref<8192x8192xf32, #tpu.memory_space<hbm>>
        tpu.enqueue_indirect_dma source(%dma_start3A_278 : memref<8192x8192xf32, #tpu.memory_space<hbm>>) target(%arg11 : memref<1x8192xf32, #tpu.memory_space<vmem>>) offsets(%dma_start3A_275 : memref<1xi32, #tpu.memory_space<vmem>>) semaphore(%arg19 : memref<!tpu.dma_semaphore, #tpu.memory_space<semaphore_mem>>)
      } else {
      }
      %add3A_111 = arith.constant 1 : i32
      %add3A_112 = arith.addi %mul3A_91, %add3A_111 : i32
      %dma_wait3A_113 = arith.constant 0 : i32
      %dma_wait3A_114 = arith.constant 0 : i32
      %dma_wait3A_115 = tpu.memref_slice %arg2[%dma_wait3A_113, %dma_wait3A_114] : memref<8192x8192xf32, #tpu.memory_space<hbm>> -> memref<1x8192xf32, #tpu.memory_space<hbm>>
      %dma_wait3A_116 = arith.constant 0 : i32
      %dma_wait3A_117 = arith.constant 0 : i32
      %dma_wait3A_118 = tpu.memref_slice %arg2[%dma_wait3A_116, %dma_wait3A_117] : memref<8192x8192xf32, #tpu.memory_space<hbm>> -> memref<1x8192xf32, #tpu.memory_space<hbm>>
      tpu.wait_dma2 semaphore(%arg15 : memref<!tpu.dma_semaphore, #tpu.memory_space<semaphore_mem>>) src(%dma_wait3A_118 : memref<1x8192xf32, #tpu.memory_space<hbm>>) dst(%arg7 : memref<1x8192xf32, #tpu.memory_space<vmem>>)
      %mul3A_119 = arith.constant 1 : i32
      %mul3A_120 = arith.muli %add3A_112, %mul3A_119 : i32
      %add3A_121 = arith.addi %mul3A_2, %mul3A_120 : i32
      %dma_start3A_122 = arith.constant 0 : i32
      %dma_start3A_123 = tpu.memref_slice %arg4[%add3A_121, %dma_start3A_122] : memref<4096x8192xf32, #tpu.memory_space<hbm>> -> memref<1x8192xf32, #tpu.memory_space<hbm>>
      %dma_start3A_124 = arith.constant 0 : i32
      %dma_start3A_125 = tpu.memref_slice %arg4[%add3A_121, %dma_start3A_124] : memref<4096x8192xf32, #tpu.memory_space<hbm>> -> memref<1x8192xf32, #tpu.memory_space<hbm>>
      tpu.enqueue_dma source(%arg7 : memref<1x8192xf32, #tpu.memory_space<vmem>>) target(%dma_start3A_125 : memref<1x8192xf32, #tpu.memory_space<hbm>>) target_semaphore(%arg23 : memref<!tpu.dma_semaphore, #tpu.memory_space<semaphore_mem>>)
      %add3A_126 = arith.constant 5 : i32
      %add3A_127 = arith.addi %add3A_112, %add3A_126 : i32
      %lt3A_128 = arith.constant 128 : i32
      %lt3A_129 = arith.cmpi slt, %add3A_127, %lt3A_128 : i32
      %convert_element_type3A_130 = arith.extui %lt3A_129 : i1 to i32
      %cond3A_131 = arith.constant 0 : i32
      %cond3A_132 = arith.cmpi ne, %convert_element_type3A_130, %cond3A_131 : i32
      scf.if %cond3A_132 {
        %add3A_265 = arith.constant 5 : i32
        %add3A_266 = arith.addi %add3A_112, %add3A_265 : i32
        %ge3A = arith.constant 8 : i32
        %ge3A_267 = arith.cmpi sge, %add3A_266, %ge3A : i32
        %convert_element_type3A_268 = arith.extui %ge3A_267 : i1 to i32
        %cond3A_269 = arith.constant 0 : i32
        %cond3A_270 = arith.cmpi ne, %convert_element_type3A_268, %cond3A_269 : i32
        scf.if %cond3A_270 {
          %add3A_279 = arith.constant 5 : i32
          %add3A_280 = arith.addi %add3A_112, %add3A_279 : i32
          %sub3A = arith.constant 8 : i32
          %sub3A_281 = arith.subi %add3A_280, %sub3A : i32
          %dma_wait3A_282 = arith.constant 0 : i32
          %dma_wait3A_283 = arith.constant 0 : i32
          %dma_wait3A_284 = tpu.memref_slice %arg4[%dma_wait3A_282, %dma_wait3A_283] : memref<4096x8192xf32, #tpu.memory_space<hbm>> -> memref<1x8192xf32, #tpu.memory_space<hbm>>
          %dma_wait3A_285 = arith.constant 0 : i32
          %dma_wait3A_286 = arith.constant 0 : i32
          %dma_wait3A_287 = tpu.memref_slice %arg4[%dma_wait3A_285, %dma_wait3A_286] : memref<4096x8192xf32, #tpu.memory_space<hbm>> -> memref<1x8192xf32, #tpu.memory_space<hbm>>
          tpu.wait_dma2 semaphore(%arg28 : memref<!tpu.dma_semaphore, #tpu.memory_space<semaphore_mem>>) src(%arg12 : memref<1x8192xf32, #tpu.memory_space<vmem>>) dst(%dma_wait3A_287 : memref<1x8192xf32, #tpu.memory_space<hbm>>)
        } else {
        }
        %add3A_271 = arith.constant 5 : i32
        %add3A_272 = arith.addi %add3A_112, %add3A_271 : i32
        %dma_start3A_273 = arith.constant 0 : i32
        %dma_start3A_274 = tpu.memref_slice %arg5[%add3A_272, %dma_start3A_273] : memref<128x1xi32, #tpu.memory_space<vmem>> -> memref<1x1xi32, #tpu.memory_space<vmem>>
        %dma_start3A_275 = tpu.memref_squeeze %dma_start3A_274 : memref<1x1xi32, #tpu.memory_space<vmem>> -> memref<1xi32, #tpu.memory_space<vmem>>
        %dma_start3A_276 = arith.constant 0 : i32
        %dma_start3A_277 = arith.constant 0 : i32
        %dma_start3A_278 = tpu.memref_slice %arg2[%dma_start3A_276, %dma_start3A_277] : memref<8192x8192xf32, #tpu.memory_space<hbm>> -> memref<8192x8192xf32, #tpu.memory_space<hbm>>
        tpu.enqueue_indirect_dma source(%dma_start3A_278 : memref<8192x8192xf32, #tpu.memory_space<hbm>>) target(%arg12 : memref<1x8192xf32, #tpu.memory_space<vmem>>) offsets(%dma_start3A_275 : memref<1xi32, #tpu.memory_space<vmem>>) semaphore(%arg20 : memref<!tpu.dma_semaphore, #tpu.memory_space<semaphore_mem>>)
      } else {
      }
      %add3A_133 = arith.constant 2 : i32
      %add3A_134 = arith.addi %mul3A_91, %add3A_133 : i32
      %dma_wait3A_135 = arith.constant 0 : i32
      %dma_wait3A_136 = arith.constant 0 : i32
      %dma_wait3A_137 = tpu.memref_slice %arg2[%dma_wait3A_135, %dma_wait3A_136] : memref<8192x8192xf32, #tpu.memory_space<hbm>> -> memref<1x8192xf32, #tpu.memory_space<hbm>>
      %dma_wait3A_138 = arith.constant 0 : i32
      %dma_wait3A_139 = arith.constant 0 : i32
      %dma_wait3A_140 = tpu.memref_slice %arg2[%dma_wait3A_138, %dma_wait3A_139] : memref<8192x8192xf32, #tpu.memory_space<hbm>> -> memref<1x8192xf32, #tpu.memory_space<hbm>>
      tpu.wait_dma2 semaphore(%arg16 : memref<!tpu.dma_semaphore, #tpu.memory_space<semaphore_mem>>) src(%dma_wait3A_140 : memref<1x8192xf32, #tpu.memory_space<hbm>>) dst(%arg8 : memref<1x8192xf32, #tpu.memory_space<vmem>>)
      %mul3A_141 = arith.constant 1 : i32
      %mul3A_142 = arith.muli %add3A_134, %mul3A_141 : i32
      %add3A_143 = arith.addi %mul3A_2, %mul3A_142 : i32
      %dma_start3A_144 = arith.constant 0 : i32
      %dma_start3A_145 = tpu.memref_slice %arg4[%add3A_143, %dma_start3A_144] : memref<4096x8192xf32, #tpu.memory_space<hbm>> -> memref<1x8192xf32, #tpu.memory_space<hbm>>
      %dma_start3A_146 = arith.constant 0 : i32
      %dma_start3A_147 = tpu.memref_slice %arg4[%add3A_143, %dma_start3A_146] : memref<4096x8192xf32, #tpu.memory_space<hbm>> -> memref<1x8192xf32, #tpu.memory_space<hbm>>
      tpu.enqueue_dma source(%arg8 : memref<1x8192xf32, #tpu.memory_space<vmem>>) target(%dma_start3A_147 : memref<1x8192xf32, #tpu.memory_space<hbm>>) target_semaphore(%arg24 : memref<!tpu.dma_semaphore, #tpu.memory_space<semaphore_mem>>)
      %add3A_148 = arith.constant 5 : i32
      %add3A_149 = arith.addi %add3A_134, %add3A_148 : i32
      %lt3A_150 = arith.constant 128 : i32
      %lt3A_151 = arith.cmpi slt, %add3A_149, %lt3A_150 : i32
      %convert_element_type3A_152 = arith.extui %lt3A_151 : i1 to i32
      %cond3A_153 = arith.constant 0 : i32
      %cond3A_154 = arith.cmpi ne, %convert_element_type3A_152, %cond3A_153 : i32
      scf.if %cond3A_154 {
        %add3A_265 = arith.constant 5 : i32
        %add3A_266 = arith.addi %add3A_134, %add3A_265 : i32
        %ge3A = arith.constant 8 : i32
        %ge3A_267 = arith.cmpi sge, %add3A_266, %ge3A : i32
        %convert_element_type3A_268 = arith.extui %ge3A_267 : i1 to i32
        %cond3A_269 = arith.constant 0 : i32
        %cond3A_270 = arith.cmpi ne, %convert_element_type3A_268, %cond3A_269 : i32
        scf.if %cond3A_270 {
          %add3A_279 = arith.constant 5 : i32
          %add3A_280 = arith.addi %add3A_134, %add3A_279 : i32
          %sub3A = arith.constant 8 : i32
          %sub3A_281 = arith.subi %add3A_280, %sub3A : i32
          %dma_wait3A_282 = arith.constant 0 : i32
          %dma_wait3A_283 = arith.constant 0 : i32
          %dma_wait3A_284 = tpu.memref_slice %arg4[%dma_wait3A_282, %dma_wait3A_283] : memref<4096x8192xf32, #tpu.memory_space<hbm>> -> memref<1x8192xf32, #tpu.memory_space<hbm>>
          %dma_wait3A_285 = arith.constant 0 : i32
          %dma_wait3A_286 = arith.constant 0 : i32
          %dma_wait3A_287 = tpu.memref_slice %arg4[%dma_wait3A_285, %dma_wait3A_286] : memref<4096x8192xf32, #tpu.memory_space<hbm>> -> memref<1x8192xf32, #tpu.memory_space<hbm>>
          tpu.wait_dma2 semaphore(%arg29 : memref<!tpu.dma_semaphore, #tpu.memory_space<semaphore_mem>>) src(%arg13 : memref<1x8192xf32, #tpu.memory_space<vmem>>) dst(%dma_wait3A_287 : memref<1x8192xf32, #tpu.memory_space<hbm>>)
        } else {
        }
        %add3A_271 = arith.constant 5 : i32
        %add3A_272 = arith.addi %add3A_134, %add3A_271 : i32
        %dma_start3A_273 = arith.constant 0 : i32
        %dma_start3A_274 = tpu.memref_slice %arg5[%add3A_272, %dma_start3A_273] : memref<128x1xi32, #tpu.memory_space<vmem>> -> memref<1x1xi32, #tpu.memory_space<vmem>>
        %dma_start3A_275 = tpu.memref_squeeze %dma_start3A_274 : memref<1x1xi32, #tpu.memory_space<vmem>> -> memref<1xi32, #tpu.memory_space<vmem>>
        %dma_start3A_276 = arith.constant 0 : i32
        %dma_start3A_277 = arith.constant 0 : i32
        %dma_start3A_278 = tpu.memref_slice %arg2[%dma_start3A_276, %dma_start3A_277] : memref<8192x8192xf32, #tpu.memory_space<hbm>> -> memref<8192x8192xf32, #tpu.memory_space<hbm>>
        tpu.enqueue_indirect_dma source(%dma_start3A_278 : memref<8192x8192xf32, #tpu.memory_space<hbm>>) target(%arg13 : memref<1x8192xf32, #tpu.memory_space<vmem>>) offsets(%dma_start3A_275 : memref<1xi32, #tpu.memory_space<vmem>>) semaphore(%arg21 : memref<!tpu.dma_semaphore, #tpu.memory_space<semaphore_mem>>)
      } else {
      }
      %add3A_155 = arith.constant 3 : i32
      %add3A_156 = arith.addi %mul3A_91, %add3A_155 : i32
      %dma_wait3A_157 = arith.constant 0 : i32
      %dma_wait3A_158 = arith.constant 0 : i32
      %dma_wait3A_159 = tpu.memref_slice %arg2[%dma_wait3A_157, %dma_wait3A_158] : memref<8192x8192xf32, #tpu.memory_space<hbm>> -> memref<1x8192xf32, #tpu.memory_space<hbm>>
      %dma_wait3A_160 = arith.constant 0 : i32
      %dma_wait3A_161 = arith.constant 0 : i32
      %dma_wait3A_162 = tpu.memref_slice %arg2[%dma_wait3A_160, %dma_wait3A_161] : memref<8192x8192xf32, #tpu.memory_space<hbm>> -> memref<1x8192xf32, #tpu.memory_space<hbm>>
      tpu.wait_dma2 semaphore(%arg17 : memref<!tpu.dma_semaphore, #tpu.memory_space<semaphore_mem>>) src(%dma_wait3A_162 : memref<1x8192xf32, #tpu.memory_space<hbm>>) dst(%arg9 : memref<1x8192xf32, #tpu.memory_space<vmem>>)
      %mul3A_163 = arith.constant 1 : i32
      %mul3A_164 = arith.muli %add3A_156, %mul3A_163 : i32
      %add3A_165 = arith.addi %mul3A_2, %mul3A_164 : i32
      %dma_start3A_166 = arith.constant 0 : i32
      %dma_start3A_167 = tpu.memref_slice %arg4[%add3A_165, %dma_start3A_166] : memref<4096x8192xf32, #tpu.memory_space<hbm>> -> memref<1x8192xf32, #tpu.memory_space<hbm>>
      %dma_start3A_168 = arith.constant 0 : i32
      %dma_start3A_169 = tpu.memref_slice %arg4[%add3A_165, %dma_start3A_168] : memref<4096x8192xf32, #tpu.memory_space<hbm>> -> memref<1x8192xf32, #tpu.memory_space<hbm>>
      tpu.enqueue_dma source(%arg9 : memref<1x8192xf32, #tpu.memory_space<vmem>>) target(%dma_start3A_169 : memref<1x8192xf32, #tpu.memory_space<hbm>>) target_semaphore(%arg25 : memref<!tpu.dma_semaphore, #tpu.memory_space<semaphore_mem>>)
      %add3A_170 = arith.constant 5 : i32
      %add3A_171 = arith.addi %add3A_156, %add3A_170 : i32
      %lt3A_172 = arith.constant 128 : i32
      %lt3A_173 = arith.cmpi slt, %add3A_171, %lt3A_172 : i32
      %convert_element_type3A_174 = arith.extui %lt3A_173 : i1 to i32
      %cond3A_175 = arith.constant 0 : i32
      %cond3A_176 = arith.cmpi ne, %convert_element_type3A_174, %cond3A_175 : i32
      scf.if %cond3A_176 {
        %add3A_265 = arith.constant 5 : i32
        %add3A_266 = arith.addi %add3A_156, %add3A_265 : i32
        %ge3A = arith.constant 8 : i32
        %ge3A_267 = arith.cmpi sge, %add3A_266, %ge3A : i32
        %convert_element_type3A_268 = arith.extui %ge3A_267 : i1 to i32
        %cond3A_269 = arith.constant 0 : i32
        %cond3A_270 = arith.cmpi ne, %convert_element_type3A_268, %cond3A_269 : i32
        scf.if %cond3A_270 {
          %add3A_279 = arith.constant 5 : i32
          %add3A_280 = arith.addi %add3A_156, %add3A_279 : i32
          %sub3A = arith.constant 8 : i32
          %sub3A_281 = arith.subi %add3A_280, %sub3A : i32
          %dma_wait3A_282 = arith.constant 0 : i32
          %dma_wait3A_283 = arith.constant 0 : i32
          %dma_wait3A_284 = tpu.memref_slice %arg4[%dma_wait3A_282, %dma_wait3A_283] : memref<4096x8192xf32, #tpu.memory_space<hbm>> -> memref<1x8192xf32, #tpu.memory_space<hbm>>
          %dma_wait3A_285 = arith.constant 0 : i32
          %dma_wait3A_286 = arith.constant 0 : i32
          %dma_wait3A_287 = tpu.memref_slice %arg4[%dma_wait3A_285, %dma_wait3A_286] : memref<4096x8192xf32, #tpu.memory_space<hbm>> -> memref<1x8192xf32, #tpu.memory_space<hbm>>
          tpu.wait_dma2 semaphore(%arg22 : memref<!tpu.dma_semaphore, #tpu.memory_space<semaphore_mem>>) src(%arg6 : memref<1x8192xf32, #tpu.memory_space<vmem>>) dst(%dma_wait3A_287 : memref<1x8192xf32, #tpu.memory_space<hbm>>)
        } else {
        }
        %add3A_271 = arith.constant 5 : i32
        %add3A_272 = arith.addi %add3A_156, %add3A_271 : i32
        %dma_start3A_273 = arith.constant 0 : i32
        %dma_start3A_274 = tpu.memref_slice %arg5[%add3A_272, %dma_start3A_273] : memref<128x1xi32, #tpu.memory_space<vmem>> -> memref<1x1xi32, #tpu.memory_space<vmem>>
        %dma_start3A_275 = tpu.memref_squeeze %dma_start3A_274 : memref<1x1xi32, #tpu.memory_space<vmem>> -> memref<1xi32, #tpu.memory_space<vmem>>
        %dma_start3A_276 = arith.constant 0 : i32
        %dma_start3A_277 = arith.constant 0 : i32
        %dma_start3A_278 = tpu.memref_slice %arg2[%dma_start3A_276, %dma_start3A_277] : memref<8192x8192xf32, #tpu.memory_space<hbm>> -> memref<8192x8192xf32, #tpu.memory_space<hbm>>
        tpu.enqueue_indirect_dma source(%dma_start3A_278 : memref<8192x8192xf32, #tpu.memory_space<hbm>>) target(%arg6 : memref<1x8192xf32, #tpu.memory_space<vmem>>) offsets(%dma_start3A_275 : memref<1xi32, #tpu.memory_space<vmem>>) semaphore(%arg14 : memref<!tpu.dma_semaphore, #tpu.memory_space<semaphore_mem>>)
      } else {
      }
      %add3A_177 = arith.constant 4 : i32
      %add3A_178 = arith.addi %mul3A_91, %add3A_177 : i32
      %dma_wait3A_179 = arith.constant 0 : i32
      %dma_wait3A_180 = arith.constant 0 : i32
      %dma_wait3A_181 = tpu.memref_slice %arg2[%dma_wait3A_179, %dma_wait3A_180] : memref<8192x8192xf32, #tpu.memory_space<hbm>> -> memref<1x8192xf32, #tpu.memory_space<hbm>>
      %dma_wait3A_182 = arith.constant 0 : i32
      %dma_wait3A_183 = arith.constant 0 : i32
      %dma_wait3A_184 = tpu.memref_slice %arg2[%dma_wait3A_182, %dma_wait3A_183] : memref<8192x8192xf32, #tpu.memory_space<hbm>> -> memref<1x8192xf32, #tpu.memory_space<hbm>>
      tpu.wait_dma2 semaphore(%arg18 : memref<!tpu.dma_semaphore, #tpu.memory_space<semaphore_mem>>) src(%dma_wait3A_184 : memref<1x8192xf32, #tpu.memory_space<hbm>>) dst(%arg10 : memref<1x8192xf32, #tpu.memory_space<vmem>>)
      %mul3A_185 = arith.constant 1 : i32
      %mul3A_186 = arith.muli %add3A_178, %mul3A_185 : i32
      %add3A_187 = arith.addi %mul3A_2, %mul3A_186 : i32
      %dma_start3A_188 = arith.constant 0 : i32
      %dma_start3A_189 = tpu.memref_slice %arg4[%add3A_187, %dma_start3A_188] : memref<4096x8192xf32, #tpu.memory_space<hbm>> -> memref<1x8192xf32, #tpu.memory_space<hbm>>
      %dma_start3A_190 = arith.constant 0 : i32
      %dma_start3A_191 = tpu.memref_slice %arg4[%add3A_187, %dma_start3A_190] : memref<4096x8192xf32, #tpu.memory_space<hbm>> -> memref<1x8192xf32, #tpu.memory_space<hbm>>
      tpu.enqueue_dma source(%arg10 : memref<1x8192xf32, #tpu.memory_space<vmem>>) target(%dma_start3A_191 : memref<1x8192xf32, #tpu.memory_space<hbm>>) target_semaphore(%arg26 : memref<!tpu.dma_semaphore, #tpu.memory_space<semaphore_mem>>)
      %add3A_192 = arith.constant 5 : i32
      %add3A_193 = arith.addi %add3A_178, %add3A_192 : i32
      %lt3A_194 = arith.constant 128 : i32
      %lt3A_195 = arith.cmpi slt, %add3A_193, %lt3A_194 : i32
      %convert_element_type3A_196 = arith.extui %lt3A_195 : i1 to i32
      %cond3A_197 = arith.constant 0 : i32
      %cond3A_198 = arith.cmpi ne, %convert_element_type3A_196, %cond3A_197 : i32
      scf.if %cond3A_198 {
        %add3A_265 = arith.constant 5 : i32
        %add3A_266 = arith.addi %add3A_178, %add3A_265 : i32
        %ge3A = arith.constant 8 : i32
        %ge3A_267 = arith.cmpi sge, %add3A_266, %ge3A : i32
        %convert_element_type3A_268 = arith.extui %ge3A_267 : i1 to i32
        %cond3A_269 = arith.constant 0 : i32
        %cond3A_270 = arith.cmpi ne, %convert_element_type3A_268, %cond3A_269 : i32
        scf.if %cond3A_270 {
          %add3A_279 = arith.constant 5 : i32
          %add3A_280 = arith.addi %add3A_178, %add3A_279 : i32
          %sub3A = arith.constant 8 : i32
          %sub3A_281 = arith.subi %add3A_280, %sub3A : i32
          %dma_wait3A_282 = arith.constant 0 : i32
          %dma_wait3A_283 = arith.constant 0 : i32
          %dma_wait3A_284 = tpu.memref_slice %arg4[%dma_wait3A_282, %dma_wait3A_283] : memref<4096x8192xf32, #tpu.memory_space<hbm>> -> memref<1x8192xf32, #tpu.memory_space<hbm>>
          %dma_wait3A_285 = arith.constant 0 : i32
          %dma_wait3A_286 = arith.constant 0 : i32
          %dma_wait3A_287 = tpu.memref_slice %arg4[%dma_wait3A_285, %dma_wait3A_286] : memref<4096x8192xf32, #tpu.memory_space<hbm>> -> memref<1x8192xf32, #tpu.memory_space<hbm>>
          tpu.wait_dma2 semaphore(%arg23 : memref<!tpu.dma_semaphore, #tpu.memory_space<semaphore_mem>>) src(%arg7 : memref<1x8192xf32, #tpu.memory_space<vmem>>) dst(%dma_wait3A_287 : memref<1x8192xf32, #tpu.memory_space<hbm>>)
        } else {
        }
        %add3A_271 = arith.constant 5 : i32
        %add3A_272 = arith.addi %add3A_178, %add3A_271 : i32
        %dma_start3A_273 = arith.constant 0 : i32
        %dma_start3A_274 = tpu.memref_slice %arg5[%add3A_272, %dma_start3A_273] : memref<128x1xi32, #tpu.memory_space<vmem>> -> memref<1x1xi32, #tpu.memory_space<vmem>>
        %dma_start3A_275 = tpu.memref_squeeze %dma_start3A_274 : memref<1x1xi32, #tpu.memory_space<vmem>> -> memref<1xi32, #tpu.memory_space<vmem>>
        %dma_start3A_276 = arith.constant 0 : i32
        %dma_start3A_277 = arith.constant 0 : i32
        %dma_start3A_278 = tpu.memref_slice %arg2[%dma_start3A_276, %dma_start3A_277] : memref<8192x8192xf32, #tpu.memory_space<hbm>> -> memref<8192x8192xf32, #tpu.memory_space<hbm>>
        tpu.enqueue_indirect_dma source(%dma_start3A_278 : memref<8192x8192xf32, #tpu.memory_space<hbm>>) target(%arg7 : memref<1x8192xf32, #tpu.memory_space<vmem>>) offsets(%dma_start3A_275 : memref<1xi32, #tpu.memory_space<vmem>>) semaphore(%arg15 : memref<!tpu.dma_semaphore, #tpu.memory_space<semaphore_mem>>)
      } else {
      }
      %add3A_199 = arith.constant 5 : i32
      %add3A_200 = arith.addi %mul3A_91, %add3A_199 : i32
      %dma_wait3A_201 = arith.constant 0 : i32
      %dma_wait3A_202 = arith.constant 0 : i32
      %dma_wait3A_203 = tpu.memref_slice %arg2[%dma_wait3A_201, %dma_wait3A_202] : memref<8192x8192xf32, #tpu.memory_space<hbm>> -> memref<1x8192xf32, #tpu.memory_space<hbm>>
      %dma_wait3A_204 = arith.constant 0 : i32
      %dma_wait3A_205 = arith.constant 0 : i32
      %dma_wait3A_206 = tpu.memref_slice %arg2[%dma_wait3A_204, %dma_wait3A_205] : memref<8192x8192xf32, #tpu.memory_space<hbm>> -> memref<1x8192xf32, #tpu.memory_space<hbm>>
      tpu.wait_dma2 semaphore(%arg19 : memref<!tpu.dma_semaphore, #tpu.memory_space<semaphore_mem>>) src(%dma_wait3A_206 : memref<1x8192xf32, #tpu.memory_space<hbm>>) dst(%arg11 : memref<1x8192xf32, #tpu.memory_space<vmem>>)
      %mul3A_207 = arith.constant 1 : i32
      %mul3A_208 = arith.muli %add3A_200, %mul3A_207 : i32
      %add3A_209 = arith.addi %mul3A_2, %mul3A_208 : i32
      %dma_start3A_210 = arith.constant 0 : i32
      %dma_start3A_211 = tpu.memref_slice %arg4[%add3A_209, %dma_start3A_210] : memref<4096x8192xf32, #tpu.memory_space<hbm>> -> memref<1x8192xf32, #tpu.memory_space<hbm>>
      %dma_start3A_212 = arith.constant 0 : i32
      %dma_start3A_213 = tpu.memref_slice %arg4[%add3A_209, %dma_start3A_212] : memref<4096x8192xf32, #tpu.memory_space<hbm>> -> memref<1x8192xf32, #tpu.memory_space<hbm>>
      tpu.enqueue_dma source(%arg11 : memref<1x8192xf32, #tpu.memory_space<vmem>>) target(%dma_start3A_213 : memref<1x8192xf32, #tpu.memory_space<hbm>>) target_semaphore(%arg27 : memref<!tpu.dma_semaphore, #tpu.memory_space<semaphore_mem>>)
      %add3A_214 = arith.constant 5 : i32
      %add3A_215 = arith.addi %add3A_200, %add3A_214 : i32
      %lt3A_216 = arith.constant 128 : i32
      %lt3A_217 = arith.cmpi slt, %add3A_215, %lt3A_216 : i32
      %convert_element_type3A_218 = arith.extui %lt3A_217 : i1 to i32
      %cond3A_219 = arith.constant 0 : i32
      %cond3A_220 = arith.cmpi ne, %convert_element_type3A_218, %cond3A_219 : i32
      scf.if %cond3A_220 {
        %add3A_265 = arith.constant 5 : i32
        %add3A_266 = arith.addi %add3A_200, %add3A_265 : i32
        %ge3A = arith.constant 8 : i32
        %ge3A_267 = arith.cmpi sge, %add3A_266, %ge3A : i32
        %convert_element_type3A_268 = arith.extui %ge3A_267 : i1 to i32
        %cond3A_269 = arith.constant 0 : i32
        %cond3A_270 = arith.cmpi ne, %convert_element_type3A_268, %cond3A_269 : i32
        scf.if %cond3A_270 {
          %add3A_279 = arith.constant 5 : i32
          %add3A_280 = arith.addi %add3A_200, %add3A_279 : i32
          %sub3A = arith.constant 8 : i32
          %sub3A_281 = arith.subi %add3A_280, %sub3A : i32
          %dma_wait3A_282 = arith.constant 0 : i32
          %dma_wait3A_283 = arith.constant 0 : i32
          %dma_wait3A_284 = tpu.memref_slice %arg4[%dma_wait3A_282, %dma_wait3A_283] : memref<4096x8192xf32, #tpu.memory_space<hbm>> -> memref<1x8192xf32, #tpu.memory_space<hbm>>
          %dma_wait3A_285 = arith.constant 0 : i32
          %dma_wait3A_286 = arith.constant 0 : i32
          %dma_wait3A_287 = tpu.memref_slice %arg4[%dma_wait3A_285, %dma_wait3A_286] : memref<4096x8192xf32, #tpu.memory_space<hbm>> -> memref<1x8192xf32, #tpu.memory_space<hbm>>
          tpu.wait_dma2 semaphore(%arg24 : memref<!tpu.dma_semaphore, #tpu.memory_space<semaphore_mem>>) src(%arg8 : memref<1x8192xf32, #tpu.memory_space<vmem>>) dst(%dma_wait3A_287 : memref<1x8192xf32, #tpu.memory_space<hbm>>)
        } else {
        }
        %add3A_271 = arith.constant 5 : i32
        %add3A_272 = arith.addi %add3A_200, %add3A_271 : i32
        %dma_start3A_273 = arith.constant 0 : i32
        %dma_start3A_274 = tpu.memref_slice %arg5[%add3A_272, %dma_start3A_273] : memref<128x1xi32, #tpu.memory_space<vmem>> -> memref<1x1xi32, #tpu.memory_space<vmem>>
        %dma_start3A_275 = tpu.memref_squeeze %dma_start3A_274 : memref<1x1xi32, #tpu.memory_space<vmem>> -> memref<1xi32, #tpu.memory_space<vmem>>
        %dma_start3A_276 = arith.constant 0 : i32
        %dma_start3A_277 = arith.constant 0 : i32
        %dma_start3A_278 = tpu.memref_slice %arg2[%dma_start3A_276, %dma_start3A_277] : memref<8192x8192xf32, #tpu.memory_space<hbm>> -> memref<8192x8192xf32, #tpu.memory_space<hbm>>
        tpu.enqueue_indirect_dma source(%dma_start3A_278 : memref<8192x8192xf32, #tpu.memory_space<hbm>>) target(%arg8 : memref<1x8192xf32, #tpu.memory_space<vmem>>) offsets(%dma_start3A_275 : memref<1xi32, #tpu.memory_space<vmem>>) semaphore(%arg16 : memref<!tpu.dma_semaphore, #tpu.memory_space<semaphore_mem>>)
      } else {
      }
      %add3A_221 = arith.constant 6 : i32
      %add3A_222 = arith.addi %mul3A_91, %add3A_221 : i32
      %dma_wait3A_223 = arith.constant 0 : i32
      %dma_wait3A_224 = arith.constant 0 : i32
      %dma_wait3A_225 = tpu.memref_slice %arg2[%dma_wait3A_223, %dma_wait3A_224] : memref<8192x8192xf32, #tpu.memory_space<hbm>> -> memref<1x8192xf32, #tpu.memory_space<hbm>>
      %dma_wait3A_226 = arith.constant 0 : i32
      %dma_wait3A_227 = arith.constant 0 : i32
      %dma_wait3A_228 = tpu.memref_slice %arg2[%dma_wait3A_226, %dma_wait3A_227] : memref<8192x8192xf32, #tpu.memory_space<hbm>> -> memref<1x8192xf32, #tpu.memory_space<hbm>>
      tpu.wait_dma2 semaphore(%arg20 : memref<!tpu.dma_semaphore, #tpu.memory_space<semaphore_mem>>) src(%dma_wait3A_228 : memref<1x8192xf32, #tpu.memory_space<hbm>>) dst(%arg12 : memref<1x8192xf32, #tpu.memory_space<vmem>>)
      %mul3A_229 = arith.constant 1 : i32
      %mul3A_230 = arith.muli %add3A_222, %mul3A_229 : i32
      %add3A_231 = arith.addi %mul3A_2, %mul3A_230 : i32
      %dma_start3A_232 = arith.constant 0 : i32
      %dma_start3A_233 = tpu.memref_slice %arg4[%add3A_231, %dma_start3A_232] : memref<4096x8192xf32, #tpu.memory_space<hbm>> -> memref<1x8192xf32, #tpu.memory_space<hbm>>
      %dma_start3A_234 = arith.constant 0 : i32
      %dma_start3A_235 = tpu.memref_slice %arg4[%add3A_231, %dma_start3A_234] : memref<4096x8192xf32, #tpu.memory_space<hbm>> -> memref<1x8192xf32, #tpu.memory_space<hbm>>
      tpu.enqueue_dma source(%arg12 : memref<1x8192xf32, #tpu.memory_space<vmem>>) target(%dma_start3A_235 : memref<1x8192xf32, #tpu.memory_space<hbm>>) target_semaphore(%arg28 : memref<!tpu.dma_semaphore, #tpu.memory_space<semaphore_mem>>)
      %add3A_236 = arith.constant 5 : i32
      %add3A_237 = arith.addi %add3A_222, %add3A_236 : i32
      %lt3A_238 = arith.constant 128 : i32
      %lt3A_239 = arith.cmpi slt, %add3A_237, %lt3A_238 : i32
      %convert_element_type3A_240 = arith.extui %lt3A_239 : i1 to i32
      %cond3A_241 = arith.constant 0 : i32
      %cond3A_242 = arith.cmpi ne, %convert_element_type3A_240, %cond3A_241 : i32
      scf.if %cond3A_242 {
        %add3A_265 = arith.constant 5 : i32
        %add3A_266 = arith.addi %add3A_222, %add3A_265 : i32
        %ge3A = arith.constant 8 : i32
        %ge3A_267 = arith.cmpi sge, %add3A_266, %ge3A : i32
        %convert_element_type3A_268 = arith.extui %ge3A_267 : i1 to i32
        %cond3A_269 = arith.constant 0 : i32
        %cond3A_270 = arith.cmpi ne, %convert_element_type3A_268, %cond3A_269 : i32
        scf.if %cond3A_270 {
          %add3A_279 = arith.constant 5 : i32
          %add3A_280 = arith.addi %add3A_222, %add3A_279 : i32
          %sub3A = arith.constant 8 : i32
          %sub3A_281 = arith.subi %add3A_280, %sub3A : i32
          %dma_wait3A_282 = arith.constant 0 : i32
          %dma_wait3A_283 = arith.constant 0 : i32
          %dma_wait3A_284 = tpu.memref_slice %arg4[%dma_wait3A_282, %dma_wait3A_283] : memref<4096x8192xf32, #tpu.memory_space<hbm>> -> memref<1x8192xf32, #tpu.memory_space<hbm>>
          %dma_wait3A_285 = arith.constant 0 : i32
          %dma_wait3A_286 = arith.constant 0 : i32
          %dma_wait3A_287 = tpu.memref_slice %arg4[%dma_wait3A_285, %dma_wait3A_286] : memref<4096x8192xf32, #tpu.memory_space<hbm>> -> memref<1x8192xf32, #tpu.memory_space<hbm>>
          tpu.wait_dma2 semaphore(%arg25 : memref<!tpu.dma_semaphore, #tpu.memory_space<semaphore_mem>>) src(%arg9 : memref<1x8192xf32, #tpu.memory_space<vmem>>) dst(%dma_wait3A_287 : memref<1x8192xf32, #tpu.memory_space<hbm>>)
        } else {
        }
        %add3A_271 = arith.constant 5 : i32
        %add3A_272 = arith.addi %add3A_222, %add3A_271 : i32
        %dma_start3A_273 = arith.constant 0 : i32
        %dma_start3A_274 = tpu.memref_slice %arg5[%add3A_272, %dma_start3A_273] : memref<128x1xi32, #tpu.memory_space<vmem>> -> memref<1x1xi32, #tpu.memory_space<vmem>>
        %dma_start3A_275 = tpu.memref_squeeze %dma_start3A_274 : memref<1x1xi32, #tpu.memory_space<vmem>> -> memref<1xi32, #tpu.memory_space<vmem>>
        %dma_start3A_276 = arith.constant 0 : i32
        %dma_start3A_277 = arith.constant 0 : i32
        %dma_start3A_278 = tpu.memref_slice %arg2[%dma_start3A_276, %dma_start3A_277] : memref<8192x8192xf32, #tpu.memory_space<hbm>> -> memref<8192x8192xf32, #tpu.memory_space<hbm>>
        tpu.enqueue_indirect_dma source(%dma_start3A_278 : memref<8192x8192xf32, #tpu.memory_space<hbm>>) target(%arg9 : memref<1x8192xf32, #tpu.memory_space<vmem>>) offsets(%dma_start3A_275 : memref<1xi32, #tpu.memory_space<vmem>>) semaphore(%arg17 : memref<!tpu.dma_semaphore, #tpu.memory_space<semaphore_mem>>)
      } else {
      }
      %add3A_243 = arith.constant 7 : i32
      %add3A_244 = arith.addi %mul3A_91, %add3A_243 : i32
      %dma_wait3A_245 = arith.constant 0 : i32
      %dma_wait3A_246 = arith.constant 0 : i32
      %dma_wait3A_247 = tpu.memref_slice %arg2[%dma_wait3A_245, %dma_wait3A_246] : memref<8192x8192xf32, #tpu.memory_space<hbm>> -> memref<1x8192xf32, #tpu.memory_space<hbm>>
      %dma_wait3A_248 = arith.constant 0 : i32
      %dma_wait3A_249 = arith.constant 0 : i32
      %dma_wait3A_250 = tpu.memref_slice %arg2[%dma_wait3A_248, %dma_wait3A_249] : memref<8192x8192xf32, #tpu.memory_space<hbm>> -> memref<1x8192xf32, #tpu.memory_space<hbm>>
      tpu.wait_dma2 semaphore(%arg21 : memref<!tpu.dma_semaphore, #tpu.memory_space<semaphore_mem>>) src(%dma_wait3A_250 : memref<1x8192xf32, #tpu.memory_space<hbm>>) dst(%arg13 : memref<1x8192xf32, #tpu.memory_space<vmem>>)
      %mul3A_251 = arith.constant 1 : i32
      %mul3A_252 = arith.muli %add3A_244, %mul3A_251 : i32
      %add3A_253 = arith.addi %mul3A_2, %mul3A_252 : i32
      %dma_start3A_254 = arith.constant 0 : i32
      %dma_start3A_255 = tpu.memref_slice %arg4[%add3A_253, %dma_start3A_254] : memref<4096x8192xf32, #tpu.memory_space<hbm>> -> memref<1x8192xf32, #tpu.memory_space<hbm>>
      %dma_start3A_256 = arith.constant 0 : i32
      %dma_start3A_257 = tpu.memref_slice %arg4[%add3A_253, %dma_start3A_256] : memref<4096x8192xf32, #tpu.memory_space<hbm>> -> memref<1x8192xf32, #tpu.memory_space<hbm>>
      tpu.enqueue_dma source(%arg13 : memref<1x8192xf32, #tpu.memory_space<vmem>>) target(%dma_start3A_257 : memref<1x8192xf32, #tpu.memory_space<hbm>>) target_semaphore(%arg29 : memref<!tpu.dma_semaphore, #tpu.memory_space<semaphore_mem>>)
      %add3A_258 = arith.constant 5 : i32
      %add3A_259 = arith.addi %add3A_244, %add3A_258 : i32
      %lt3A_260 = arith.constant 128 : i32
      %lt3A_261 = arith.cmpi slt, %add3A_259, %lt3A_260 : i32
      %convert_element_type3A_262 = arith.extui %lt3A_261 : i1 to i32
      %cond3A_263 = arith.constant 0 : i32
      %cond3A_264 = arith.cmpi ne, %convert_element_type3A_262, %cond3A_263 : i32
      scf.if %cond3A_264 {
        %add3A_265 = arith.constant 5 : i32
        %add3A_266 = arith.addi %add3A_244, %add3A_265 : i32
        %ge3A = arith.constant 8 : i32
        %ge3A_267 = arith.cmpi sge, %add3A_266, %ge3A : i32
        %convert_element_type3A_268 = arith.extui %ge3A_267 : i1 to i32
        %cond3A_269 = arith.constant 0 : i32
        %cond3A_270 = arith.cmpi ne, %convert_element_type3A_268, %cond3A_269 : i32
        scf.if %cond3A_270 {
          %add3A_279 = arith.constant 5 : i32
          %add3A_280 = arith.addi %add3A_244, %add3A_279 : i32
          %sub3A = arith.constant 8 : i32
          %sub3A_281 = arith.subi %add3A_280, %sub3A : i32
          %dma_wait3A_282 = arith.constant 0 : i32
          %dma_wait3A_283 = arith.constant 0 : i32
          %dma_wait3A_284 = tpu.memref_slice %arg4[%dma_wait3A_282, %dma_wait3A_283] : memref<4096x8192xf32, #tpu.memory_space<hbm>> -> memref<1x8192xf32, #tpu.memory_space<hbm>>
          %dma_wait3A_285 = arith.constant 0 : i32
          %dma_wait3A_286 = arith.constant 0 : i32
          %dma_wait3A_287 = tpu.memref_slice %arg4[%dma_wait3A_285, %dma_wait3A_286] : memref<4096x8192xf32, #tpu.memory_space<hbm>> -> memref<1x8192xf32, #tpu.memory_space<hbm>>
          tpu.wait_dma2 semaphore(%arg26 : memref<!tpu.dma_semaphore, #tpu.memory_space<semaphore_mem>>) src(%arg10 : memref<1x8192xf32, #tpu.memory_space<vmem>>) dst(%dma_wait3A_287 : memref<1x8192xf32, #tpu.memory_space<hbm>>)
        } else {
        }
        %add3A_271 = arith.constant 5 : i32
        %add3A_272 = arith.addi %add3A_244, %add3A_271 : i32
        %dma_start3A_273 = arith.constant 0 : i32
        %dma_start3A_274 = tpu.memref_slice %arg5[%add3A_272, %dma_start3A_273] : memref<128x1xi32, #tpu.memory_space<vmem>> -> memref<1x1xi32, #tpu.memory_space<vmem>>
        %dma_start3A_275 = tpu.memref_squeeze %dma_start3A_274 : memref<1x1xi32, #tpu.memory_space<vmem>> -> memref<1xi32, #tpu.memory_space<vmem>>
        %dma_start3A_276 = arith.constant 0 : i32
        %dma_start3A_277 = arith.constant 0 : i32
        %dma_start3A_278 = tpu.memref_slice %arg2[%dma_start3A_276, %dma_start3A_277] : memref<8192x8192xf32, #tpu.memory_space<hbm>> -> memref<8192x8192xf32, #tpu.memory_space<hbm>>
        tpu.enqueue_indirect_dma source(%dma_start3A_278 : memref<8192x8192xf32, #tpu.memory_space<hbm>>) target(%arg10 : memref<1x8192xf32, #tpu.memory_space<vmem>>) offsets(%dma_start3A_275 : memref<1xi32, #tpu.memory_space<vmem>>) semaphore(%arg18 : memref<!tpu.dma_semaphore, #tpu.memory_space<semaphore_mem>>)
      } else {
      }
    }
    %scan3A_41 = arith.constant 16 : i32
    %dma_wait3A = arith.constant 0 : i32
    %dma_wait3A_42 = arith.constant 0 : i32
    %dma_wait3A_43 = tpu.memref_slice %arg4[%dma_wait3A, %dma_wait3A_42] : memref<4096x8192xf32, #tpu.memory_space<hbm>> -> memref<1x8192xf32, #tpu.memory_space<hbm>>
    %dma_wait3A_44 = arith.constant 0 : i32
    %dma_wait3A_45 = arith.constant 0 : i32
    %dma_wait3A_46 = tpu.memref_slice %arg4[%dma_wait3A_44, %dma_wait3A_45] : memref<4096x8192xf32, #tpu.memory_space<hbm>> -> memref<1x8192xf32, #tpu.memory_space<hbm>>
    tpu.wait_dma2 semaphore(%arg22 : memref<!tpu.dma_semaphore, #tpu.memory_space<semaphore_mem>>) src(%arg6 : memref<1x8192xf32, #tpu.memory_space<vmem>>) dst(%dma_wait3A_46 : memref<1x8192xf32, #tpu.memory_space<hbm>>)
    %dma_wait3A_47 = arith.constant 0 : i32
    %dma_wait3A_48 = arith.constant 0 : i32
    %dma_wait3A_49 = tpu.memref_slice %arg4[%dma_wait3A_47, %dma_wait3A_48] : memref<4096x8192xf32, #tpu.memory_space<hbm>> -> memref<1x8192xf32, #tpu.memory_space<hbm>>
    %dma_wait3A_50 = arith.constant 0 : i32
    %dma_wait3A_51 = arith.constant 0 : i32
    %dma_wait3A_52 = tpu.memref_slice %arg4[%dma_wait3A_50, %dma_wait3A_51] : memref<4096x8192xf32, #tpu.memory_space<hbm>> -> memref<1x8192xf32, #tpu.memory_space<hbm>>
    tpu.wait_dma2 semaphore(%arg23 : memref<!tpu.dma_semaphore, #tpu.memory_space<semaphore_mem>>) src(%arg7 : memref<1x8192xf32, #tpu.memory_space<vmem>>) dst(%dma_wait3A_52 : memref<1x8192xf32, #tpu.memory_space<hbm>>)
    %dma_wait3A_53 = arith.constant 0 : i32
    %dma_wait3A_54 = arith.constant 0 : i32
    %dma_wait3A_55 = tpu.memref_slice %arg4[%dma_wait3A_53, %dma_wait3A_54] : memref<4096x8192xf32, #tpu.memory_space<hbm>> -> memref<1x8192xf32, #tpu.memory_space<hbm>>
    %dma_wait3A_56 = arith.constant 0 : i32
    %dma_wait3A_57 = arith.constant 0 : i32
    %dma_wait3A_58 = tpu.memref_slice %arg4[%dma_wait3A_56, %dma_wait3A_57] : memref<4096x8192xf32, #tpu.memory_space<hbm>> -> memref<1x8192xf32, #tpu.memory_space<hbm>>
    tpu.wait_dma2 semaphore(%arg24 : memref<!tpu.dma_semaphore, #tpu.memory_space<semaphore_mem>>) src(%arg8 : memref<1x8192xf32, #tpu.memory_space<vmem>>) dst(%dma_wait3A_58 : memref<1x8192xf32, #tpu.memory_space<hbm>>)
    %dma_wait3A_59 = arith.constant 0 : i32
    %dma_wait3A_60 = arith.constant 0 : i32
    %dma_wait3A_61 = tpu.memref_slice %arg4[%dma_wait3A_59, %dma_wait3A_60] : memref<4096x8192xf32, #tpu.memory_space<hbm>> -> memref<1x8192xf32, #tpu.memory_space<hbm>>
    %dma_wait3A_62 = arith.constant 0 : i32
    %dma_wait3A_63 = arith.constant 0 : i32
    %dma_wait3A_64 = tpu.memref_slice %arg4[%dma_wait3A_62, %dma_wait3A_63] : memref<4096x8192xf32, #tpu.memory_space<hbm>> -> memref<1x8192xf32, #tpu.memory_space<hbm>>
    tpu.wait_dma2 semaphore(%arg25 : memref<!tpu.dma_semaphore, #tpu.memory_space<semaphore_mem>>) src(%arg9 : memref<1x8192xf32, #tpu.memory_space<vmem>>) dst(%dma_wait3A_64 : memref<1x8192xf32, #tpu.memory_space<hbm>>)
    %dma_wait3A_65 = arith.constant 0 : i32
    %dma_wait3A_66 = arith.constant 0 : i32
    %dma_wait3A_67 = tpu.memref_slice %arg4[%dma_wait3A_65, %dma_wait3A_66] : memref<4096x8192xf32, #tpu.memory_space<hbm>> -> memref<1x8192xf32, #tpu.memory_space<hbm>>
    %dma_wait3A_68 = arith.constant 0 : i32
    %dma_wait3A_69 = arith.constant 0 : i32
    %dma_wait3A_70 = tpu.memref_slice %arg4[%dma_wait3A_68, %dma_wait3A_69] : memref<4096x8192xf32, #tpu.memory_space<hbm>> -> memref<1x8192xf32, #tpu.memory_space<hbm>>
    tpu.wait_dma2 semaphore(%arg26 : memref<!tpu.dma_semaphore, #tpu.memory_space<semaphore_mem>>) src(%arg10 : memref<1x8192xf32, #tpu.memory_space<vmem>>) dst(%dma_wait3A_70 : memref<1x8192xf32, #tpu.memory_space<hbm>>)
    %dma_wait3A_71 = arith.constant 0 : i32
    %dma_wait3A_72 = arith.constant 0 : i32
    %dma_wait3A_73 = tpu.memref_slice %arg4[%dma_wait3A_71, %dma_wait3A_72] : memref<4096x8192xf32, #tpu.memory_space<hbm>> -> memref<1x8192xf32, #tpu.memory_space<hbm>>
    %dma_wait3A_74 = arith.constant 0 : i32
    %dma_wait3A_75 = arith.constant 0 : i32
    %dma_wait3A_76 = tpu.memref_slice %arg4[%dma_wait3A_74, %dma_wait3A_75] : memref<4096x8192xf32, #tpu.memory_space<hbm>> -> memref<1x8192xf32, #tpu.memory_space<hbm>>
    tpu.wait_dma2 semaphore(%arg27 : memref<!tpu.dma_semaphore, #tpu.memory_space<semaphore_mem>>) src(%arg11 : memref<1x8192xf32, #tpu.memory_space<vmem>>) dst(%dma_wait3A_76 : memref<1x8192xf32, #tpu.memory_space<hbm>>)
    %dma_wait3A_77 = arith.constant 0 : i32
    %dma_wait3A_78 = arith.constant 0 : i32
    %dma_wait3A_79 = tpu.memref_slice %arg4[%dma_wait3A_77, %dma_wait3A_78] : memref<4096x8192xf32, #tpu.memory_space<hbm>> -> memref<1x8192xf32, #tpu.memory_space<hbm>>
    %dma_wait3A_80 = arith.constant 0 : i32
    %dma_wait3A_81 = arith.constant 0 : i32
    %dma_wait3A_82 = tpu.memref_slice %arg4[%dma_wait3A_80, %dma_wait3A_81] : memref<4096x8192xf32, #tpu.memory_space<hbm>> -> memref<1x8192xf32, #tpu.memory_space<hbm>>
    tpu.wait_dma2 semaphore(%arg28 : memref<!tpu.dma_semaphore, #tpu.memory_space<semaphore_mem>>) src(%arg12 : memref<1x8192xf32, #tpu.memory_space<vmem>>) dst(%dma_wait3A_82 : memref<1x8192xf32, #tpu.memory_space<hbm>>)
    %dma_wait3A_83 = arith.constant 0 : i32
    %dma_wait3A_84 = arith.constant 0 : i32
    %dma_wait3A_85 = tpu.memref_slice %arg4[%dma_wait3A_83, %dma_wait3A_84] : memref<4096x8192xf32, #tpu.memory_space<hbm>> -> memref<1x8192xf32, #tpu.memory_space<hbm>>
    %dma_wait3A_86 = arith.constant 0 : i32
    %dma_wait3A_87 = arith.constant 0 : i32
    %dma_wait3A_88 = tpu.memref_slice %arg4[%dma_wait3A_86, %dma_wait3A_87] : memref<4096x8192xf32, #tpu.memory_space<hbm>> -> memref<1x8192xf32, #tpu.memory_space<hbm>>
    tpu.wait_dma2 semaphore(%arg29 : memref<!tpu.dma_semaphore, #tpu.memory_space<semaphore_mem>>) src(%arg13 : memref<1x8192xf32, #tpu.memory_space<vmem>>) dst(%dma_wait3A_88 : memref<1x8192xf32, #tpu.memory_space<hbm>>)
    return
  }
}

</mosaic_0001>

<sc_bundles>
// kernel: kernel.3.cloned.1.call-start
scs
__scs_entry_jumppad:
0x0: {  	(pc) =	sbr.rel $0x88, $3  }
0x1: {  	(tag) =	ssettag $0x0;
	lr =	simm.s32 $0x1  }
0x2: {  	[smem:$0x3F9F] =	sst lr;
	_ =	strace $0xD0000000  }
0x3: {  	_ = 	snop  }
0x4: {  	_ = 	snop  }
0x5: {  	_ = 	snop  }
0x6: {  	_ = 	snop  }
0x7: {  	_ = 	snop  }
__scs_overlays_trampoline_lowered:
0x8: {  	[smem:$0x3FAE] =	sst s0  }
0x9: {  	[smem:$0x3FAF] =	sst s1  }
0xa: {  	[smem:$0x3FB0] =	sst s2  }
0xb: {  	[smem:$0x3FB1] =	sst s3  }
0xc: {  	[smem:$0x3FB2] =	sst s4  }
0xd: {  	[smem:$0x3FB3] =	sst s5  }
0xe: {  	[smem:$0x3FB4] =	sst s6  }
0xf: {  	[smem:$0x3FB5] =	sst s7  }
0x10: {  	[smem:$0x3FB6] =	sst s8  }
0x11: {  	[smem:$0x3FB7] =	sst s9;
	s0 =	simm.s32 @!p0 $0x0  }
0x12: {  	s1 =	sld [smem:$0x3F9D];
	s0 =	simm.s32 @p0 $0x1  }
0x13: {  	[smem:$0x3FB8] =	sst s0;
	s0 =	simm.s32 @!p1 $0x0  }
0x14: {  	s2 =	sld [smem:$0x3F9C];
	s0 =	simm.s32 @p1 $0x1  }
0x15: {  	[smem:$0x3FB9] =	sst s0;
	s0 =	simm.s32 @!p2 $0x0  }
0x16: {  	s3 =	sld [smem:$0x3FDB];
	s0 =	simm.s32 @p2 $0x1  }
0x17: {  	s4 =	simm.s32 $0x1BF5;
	[smem:$0x3FBB] =	sst s0  }
0x18: {  	s0 =	sld [smem:$0x3F9E];
	_ =	swait.ge [sflag:s4], $0x0  }
0x19: {  	s7 =	sld [smem:$0x3F9F]  }
0x1a: {  	s8 =	sadd.s32 $0xFFFFE003, lr  }
0x1b: {  	s9 =	sadd.s32 $0xFFFFFEF7, lr;
	s5 =	simm.s32 $0xFFFFFFFF;
	p2 =	slt.u32 s8, $0xFFFFF086  }
0x1c: {  	p1 =	slt.u32 s9, $0xF7A;
	s5 =	simm.s32 @!p2 $0x0  }
0x1d: {  	s5 =	simm.s32 @p1 $0x1;
	p0 =	seq.s32 s7, s2  }
0x1e: {  	s7 =	smul.u32 @!p0 $0xF7A, s2;
	p2 =	seq.s32 @!p0 s5, $0x0  }
0x1f: {  	s9 =	smul.u32 $0xF7A, s1;
	s8 =	simm.s32 @!p0 $0x1BF5;
	p2 =	por !p2, p0  }
0x20: {  	[sflag:s8] =	ssyncset.s32 @!p0 $0xFFFFF086;
	s6 =	sadd.s32 @!p0 s3, s7;
	s7 =	simm.s32 @!p0 $0x108  }
0x21: {  	s3 =	sadd.s32 s3, s9;
	s6 =	sadd.s32 @!p0 $0x88, s6;
	s7 =	simm.s32 @p2 $0x1082  }
0x22: {  	[simem:s7], [sflag:s8] =	dma.local @!p0 [hbm:s6], $0xF7A  }
0x23: {  	s9 =	sor.u32 $0xD0000000, s2;
	s6 =	simm.s32 $0x108;
	_ =	swait.ge @!p0 [sflag:s8], $0x0  }
0x24: {  	s3 =	sadd.s32 $0x88, s3;
	s6 =	simm.s32 @!p1 $0x1082;
	[sflag:s4] =	ssyncset.s32 $0xFFFFF086  }
0x25: {  	[simem:s6], [sflag:s4] =	dma.local [hbm:s3], $0xF7A  }
0x26: {  	[smem:$0x3F9F] =	sst s1;
	(tag) =	ssettag s2;
	_ =	strace s9  }
0x27: {  	s1 =	sld [smem:$0x3FAF]  }
0x28: {  	s2 =	sld [smem:$0x3FB0]  }
0x29: {  	s4 =	sld [smem:$0x3FB2]  }
0x2a: {  	p0 =	seq.s32 s5, $0x0;
	s5 =	sld [smem:$0x3FB3]  }
0x2b: {  	s6 =	sld [smem:$0x3FB4]  }
0x2c: {  	s7 =	sld [smem:$0x3FB5]  }
0x2d: {  	s3 =	simm.s32 $0x108;
	s8 =	sld [smem:$0x3FB6]  }
0x2e: {  	s3 =	simm.s32 @!p0 $0x1082;
	s9 =	sld [smem:$0x3FB7]  }
0x2f: {  	lr =	sadd.s32 s0, s3;
	s0 =	sld [smem:$0x3FAE]  }
0x30: {  	s3 =	sld [smem:$0x3FB1]  }
0x31: {  	[smem:$0x3FBA] =	sst s10  }
0x32: {  	s10 =	sld [smem:$0x3FB8];
	_ =	sdelay $0x3  }
0x33: {  	p0 =	seq.s32 s10, $0x1;
	s10 =	sld [smem:$0x3FBA];
	_ =	sdelay $0x3  }
0x34: {  	[smem:$0x3FBA] =	sst s10  }
0x35: {  	s10 =	sld [smem:$0x3FB9];
	_ =	sdelay $0x3  }
0x36: {  	p1 =	seq.s32 s10, $0x1;
	s10 =	sld [smem:$0x3FBA];
	_ =	sdelay $0x3  }
0x37: {  	[smem:$0x3FBA] =	sst s10  }
0x38: {  	s10 =	sld [smem:$0x3FBB]  }
0x39: {  	_ = 	snop;
	(pc) =	sbr.ind lr, $3  }
0x3a: {  	_ = 	snop  }
0x3b: {  	_ = 	snop  }
0x3c: {  	p2 =	seq.s32 s10, $0x1;
	s10 =	sld [smem:$0x3FBA]  }
0x3d: {  	_ =	shalt  }
0x3e: {  	_ =	shalt  }
0x3f: {  	_ =	shalt  }
0x40: {  	_ =	shalt  }
0x41: {  	_ =	shalt  }
0x42: {  	_ =	shalt  }
0x43: {  	_ =	shalt  }
0x44: {  	_ =	shalt  }
0x45: {  	_ =	shalt  }
0x46: {  	_ =	shalt  }
0x47: {  	_ =	shalt  }
0x48: {  	_ =	shalt  }
0x49: {  	_ =	shalt  }
0x4a: {  	_ =	shalt  }
0x4b: {  	_ =	shalt  }
0x4c: {  	_ =	shalt  }
0x4d: {  	_ =	shalt  }
0x4e: {  	_ =	shalt  }
0x4f: {  	_ =	shalt  }
0x50: {  	_ =	shalt  }
0x51: {  	_ =	shalt  }
0x52: {  	_ =	shalt  }
0x53: {  	_ =	shalt  }
0x54: {  	_ =	shalt  }
0x55: {  	_ =	shalt  }
0x56: {  	_ =	shalt  }
0x57: {  	_ =	shalt  }
0x58: {  	_ =	shalt  }
0x59: {  	_ =	shalt  }
0x5a: {  	_ =	shalt  }
0x5b: {  	_ =	shalt  }
0x5c: {  	_ =	shalt  }
0x5d: {  	_ =	shalt  }
0x5e: {  	_ =	shalt  }
0x5f: {  	_ =	shalt  }
0x60: {  	_ =	shalt  }
0x61: {  	_ =	shalt  }
0x62: {  	_ =	shalt  }
0x63: {  	_ =	shalt  }
0x64: {  	_ =	shalt  }
0x65: {  	_ =	shalt  }
0x66: {  	_ =	shalt  }
0x67: {  	_ =	shalt  }
0x68: {  	_ =	shalt  }
0x69: {  	_ =	shalt  }
0x6a: {  	_ =	shalt  }
0x6b: {  	_ =	shalt  }
0x6c: {  	_ =	shalt  }
0x6d: {  	_ =	shalt  }
0x6e: {  	_ =	shalt  }
0x6f: {  	_ =	shalt  }
0x70: {  	_ =	shalt  }
0x71: {  	_ =	shalt  }
0x72: {  	_ =	shalt  }
0x73: {  	_ =	shalt  }
0x74: {  	_ =	shalt  }
0x75: {  	_ =	shalt  }
0x76: {  	_ =	shalt  }
0x77: {  	_ =	shalt  }
0x78: {  	_ =	shalt  }
0x79: {  	_ =	shalt  }
0x7a: {  	_ =	shalt  }
0x7b: {  	_ =	shalt  }
0x7c: {  	_ =	shalt  }
0x7d: {  	_ =	shalt  }
0x7e: {  	_ =	shalt  }
0x7f: {  	_ =	shalt  }
0x80: {  	_ =	shalt  }
0x81: {  	_ =	shalt  }
0x82: {  	_ =	shalt  }
0x83: {  	_ =	shalt  }
0x84: {  	_ =	shalt  }
0x85: {  	_ =	shalt  }
0x86: {  	_ =	shalt  }
0x87: {  	_ =	shalt  }
.Lfunc_end0:
.L_simem_size_0:
called_computation_lowered:
.L_overlay_start_0:
0x88: {  	s2 =	sld [smem:$0x3FD9]  }
0x89: {  	s3 =	sld [smem:$0x3FFE];
	_ =	sdelay $0x1  }
0x8a: {  	s1 =	srdreg.scid  }
0x8b: {  	s0 =	sand.u32 $0x1, s1  }
0x8c: {  	s17 =	sshll.u32 s0, $0xA;
	s2 =	sadd.s32 s3, s2  }
0x8d: {  	s2 =	sadd.s32 s2, s17  }
0x8e: {  	[smem:$0x3FC6] =	sst s2  }
0x8f: {  	_ = 	snop  }
0x90: {  	s2 =	sld [smem:$0x3FC8]  }
0x91: {  	s18 =	sld [smem:$0x3FD0];
	(tm) =	ssettm $0x1  }
0x92: {  	s4 =	sld [smem:$0x3FFB];
	_ =	sdelay $0x3  }
0x93: {  	_ =	strace s4  }
0x94: {  	s4 =	sld [smem:$0x3FFC];
	_ =	sdelay $0x3  }
0x95: {  	_ =	strace s4  }
0x96: {  	s4 =	sld [smem:$0x3FFD];
	_ =	sdelay $0x3  }
0x97: {  	_ =	strace s4  }
0x98: {  	_ =	strace $0x8FFFFFFF  }
0x99: {  	s19 =	sld [smem:$0x3FDB];
	_ =	sdelay $0x1  }
0x9a: {  	s5 =	simm.s32 $_scs_section_size  }
0x9b: {  	s6 =	simm.s32 $_size__tile_overlayer_lowered;
	s7 =	simm.s32 $_tile_overlayer_lowered  }
0x9c: {  	s22 =	simm.s32 $0x1BFF;
	s21 =	sshll.u32 s7, $0x1;
	s4 =	sadd.s32 s5, s19  }
0x9d: {  	s8 =	simm.s32 $0x0;
	s20 =	sshll.u32 s6, $0x1;
	s6 =	sadd.s32 s21, s4  }
0x9e: {  	[timem:s8], [sflag:s22] =	dma.local [hbm:s6], s20  }
0x9f: {  	_ =	swait.ge [sflag:s22], s20  }
0xa0: {  	s5 =	ssub.s32 $0x0, s20;
	[sflag:s22] =	ssyncset.done $0x0  }
0xa1: {  	[sflag:s22] =	ssyncadd.s32 s5;
	_ =	sdelay $0x1  }
0xa2: {  	s23 =	simm.s32 $0x1B8B  }
0xa3: {  	_ =	swait.ge [sflag:s23], $0x1  }
0xa4: {  	[sflag:s23] =	ssyncset.done $0x0  }
0xa5: {  	s25 =	simm.s32 $0x1B8E;
	s24 =	sld [smem:$0x3FFE];
	[sflag:s23] =	ssyncadd.s32 $0xFFFFFFFF  }
0xa6: {  	s26 =	simm.s32 $execute0_lowered;
	[smem:$0x3FD2] =	sst s25  }
0xa7: {  	s6 =	sshll.u32 s26, $0x1;
	_ =	strace $0x80000046;
	[dreg:$0x1] =	wrdreg $0xFFFFFFFF  }
0xa8: {  	s28 =	simm.s32 $_size_execute0_lowered;
	s4 =	sadd.s32 s4, s6;
	[dreg:$0x0] =	wrdreg $0x0  }
0xa9: {  	s6 =	sshll.u32 s28, $0x1;
	[dreg:$0x2] =	wrdreg s4  }
0xaa: {  	[dreg:$0x3] =	wrdreg s6  }
0xab: {  	[dreg:$0x4] =	wrdreg $0xC0  }
0xac: {  	_ =	task [dreg:s8], $0x5FFFF  }
0xad: {  	[dreg:$0x1] =	wrdreg $0xFFFFFFFF  }
0xae: {  	[dreg:$0x0] =	wrdreg $0x60  }
0xaf: {  	[dreg:$0x2] =	wrdreg s2  }
0xb0: {  	[dreg:$0x3] =	wrdreg s24  }
0xb1: {  	[dreg:$0x4] =	wrdreg s18  }
0xb2: {  	[dreg:$0x5] =	wrdreg $0x9  }
0xb3: {  	_ =	task.clear_ibuf [dreg:s8], $0x6FFFF;
	_ =	strace $0x90000046  }
0xb4: {  	s29 =	simm.s32 $0x9;
	_ =	strace $0x80000048  }
0xb5: {  	_ =	swait.ge [sflag:s29], $0x1  }
0xb6: {  	[sflag:s29] =	ssyncadd.s32 $0xFFFFFFFF  }
0xb7: {  	_ =	strace $0x90000048  }
0xb8: {  	_ =	sfence  }
0xb9: {  	s30 =	sld [smem:$0x0];
	_ =	sdelay $0x2  }
0xba: {  	s31 =	sshll.u32 s1, $0xD;
	s1 =	sshrl.u32 s1, $0x2  }
0xbb: {  	s3 =	sand.u32 $0x4000, s31;
	s1 =	sadd.s32 s1, s30  }
0xbc: {  	s0 =	sor.u32 s3, s0;
	s1 =	sshll.u32 s1, $0x11  }
0xbd: {  	s0 =	sor.u32 s1, s0  }
0xbe: {  	s0 =	sadd.s32 $0x8F2B, s0  }
0xbf: {  	[sflag:s0] =	ssyncadd.remote.s32 $0x1  }
0xc0: {  	_ =	sfence.sel $0xFFFF  }
0xc1: {  	[dreg:$0x0] =	wrdreg $0xFFFFFFFF;
	(pc) =	sbr.abs _section_cstart, $3  }
0xc2: {  	[dreg:$0x1] =	wrdreg $0xFFFFFFFF  }
0xc3: {  	_ =	task.clear_ibuf [dreg:s8], $0x2FFFF;
	_ =	strace $0x9FFFFFFF  }
0xc4: {  	(tm) =	ssettm $0x7FFFFFFF  }
0xc5: {  	_ =	shalt  }
tec
execute0_lowered:
.L_overlay_start_1:
0x0: {  	(tag) =	ssettag $0x1  }
0x1: {  	s1 =	rddreg [dreg:$0x0]  }
0x2: {  	s0 =	rddreg [dreg:$0x1]  }
0x3: {  	s2 =	rddreg [dreg:$0x2]  }
0x4: {  	s3 =	srdreg.scid;
	s9 =	stileid.u32;
	s12 =	simm.s32 $0x400  }
0x5: {  	s13 =	simm.s32 $0xE000;
	s18 =	simm.s32 $0x2;
	s10 =	simm.s32 $0x13800  }
0x6: {  	s11 =	simm.s32 $0x4;
	s15 =	simm.s32 $0x6;
	s28 =	simm.s32 $0x8  }
0x7: {  	s29 =	simm.s32 $0xD;
	s16 =	simm.s32 $0x0;
	s4 =	sand.u32 $0x1, s3  }
0x8: {  	s3 =	simm.s32 $0x0;
	s5 =	sshll.u32 s9, $0xC;
	s7 =	sadd.s32 $0x1800, s1  }
0x9: {  	s30 =	sshll.u32 s9, $0x12;
	s6 =	sshll.u32 s4, $0xB;
	[smem:$0x7FF] =	sst s3  }
0xa: {  	s25 =	ssub.s32 $0x2, s4;
	s31 =	sshll.u32 s4, $0x11;
	s5 =	sor.u32 s6, s5  }
0xb: {  	_ =	strace $0x80000047;
	s26 =	sshrl.u32 s25, $0x1;
	s6 =	sadd.s32 $0x1000, s1  }
.Ltmp0:
0xc: {  	s0 =	sadd.s32 s5, s0;
	s8 =	ssub.s32 s25, s26;
	(pc) =	sbr.rel .LBB2_1-.Ltmp0, $4  }
0xd: {  	s5 =	sadd.s32 $0x800, s1;
	s25 =	simm.s32 $0x3;
	s0 =	sadd.s32 $0x400, s0  }
0xe: {  	s26 =	simm.s32 $0x12000;
	s8 =	smax.u32 s8, $0x1;
	[dreg:$0x4] =	wrdreg s0  }
0xf: {  	v1 =	vlaneseq.u32;
	[dreg:$0x5] =	wrdreg s8;
	s0 =	sadd.s32 s30, s2;
	s2 =	simm.s32 $0x80  }
0x10: {  	v0 =	vimm.s32 $0x0;
	vm0 =	vmmov $0xffff;
	v1 =	vmul.u32 $0x8, v1;
	s8 =	simm.s32 $0x13000;
	s9 =	sadd.s32 s31, s0;
	s0 =	simm.s32 $0x1  }
.LBB2_4:
0x11: {  	s4 =	simm.s32 $0x9  }
0x12: {  	_ =	swait.ge [sflag:s4], $0x2000  }
0x13: {  	[sflag:s4] =	ssyncset.done $0x0  }
0x14: {  	s21 =	simm.s32 $0xA;
	[sflag:s4] =	ssyncadd.s32 $0xFFFFE000  }
0x15: {  	_ =	swait.ge [sflag:s21], $0x2000  }
0x16: {  	[sflag:s21] =	ssyncset.done $0x0  }
0x17: {  	s22 =	simm.s32 $0xB;
	[sflag:s21] =	ssyncadd.s32 $0xFFFFE000  }
0x18: {  	_ =	swait.ge [sflag:s22], $0x2000  }
0x19: {  	[sflag:s22] =	ssyncset.done $0x0  }
0x1a: {  	s23 =	simm.s32 $0xC;
	[sflag:s22] =	ssyncadd.s32 $0xFFFFE000  }
0x1b: {  	_ =	swait.ge [sflag:s23], $0x2000  }
0x1c: {  	[sflag:s23] =	ssyncset.done $0x0  }
0x1d: {  	[sflag:s23] =	ssyncadd.s32 $0xFFFFE000  }
0x1e: {  	_ =	swait.ge [sflag:s29], $0x2000  }
0x1f: {  	[sflag:s29] =	ssyncset.done $0x0  }
0x20: {  	s24 =	simm.s32 $0xE;
	[sflag:s29] =	ssyncadd.s32 $0xFFFFE000  }
0x21: {  	_ =	swait.ge [sflag:s24], $0x2000  }
0x22: {  	[sflag:s24] =	ssyncset.done $0x0  }
0x23: {  	s30 =	simm.s32 $0xF;
	[sflag:s24] =	ssyncadd.s32 $0xFFFFE000  }
0x24: {  	_ =	swait.ge [sflag:s30], $0x2000  }
0x25: {  	[sflag:s30] =	ssyncset.done $0x0  }
0x26: {  	s14 =	simm.s32 $0x10;
	[sflag:s30] =	ssyncadd.s32 $0xFFFFE000  }
0x27: {  	_ =	swait.ge [sflag:s14], $0x2000  }
0x28: {  	s16 =	rddreg [dreg:$0x6]  }
0x29: {  	s31 =	rddreg [dreg:$0x5];
	s16 =	sadd.s32 $0x1, s16  }
0x2a: {  	p0 =	sne.s32 s16, s31  }
.Ltmp1:
0x2b: {  	_ = 	snop;
	(pc) =	sbr.rel @!p0 .LBB2_5-.Ltmp1, $3  }
0x2c: {  	_ =	sdelay $0x1  }
0x2d: {  	[sflag:s14] =	ssyncset.done $0x0  }
0x2e: {  	[sflag:s14] =	ssyncadd.s32 $0xFFFFE000  }
.LBB2_1:
0x2f: {  	[dreg:$0x6] =	wrdreg s16  }
0x30: {  	s4 =	rddreg [dreg:$0x4];
	s22 =	simm.s32 $0x11  }
0x31: {  	[tilespmem:s3], [sflag:$0x11] =	stream.linear.gather [hbm4b:s4+s3], $0x4000, $0x38;
	[tilespmem:$0x14000] =	vst v63  }
0x32: {  	_ =	swait.ge [sflag:s22], $0x4000  }
0x33: {  	[sflag:s22] =	ssyncset.done $0x0  }
0x34: {  	[sflag:s22] =	ssyncadd.s32 $0xFFFFC000  }
0x35: {  	v2 =	vld.msk [tilespmem:$0x0], $0x1;
	_ =	sdelay $0x4  }
0x36: {  	v3 =	vshll.u32 v2, $0x6  }
0x37: {  	v2 =	vand.u32 $0x7, v2;
	v3 =	vand.u32 $0xFFFFFE00, v3  }
0x38: {  	v2 =	vor.u32 v2, v3  }
0x39: {  	v2 =	vperm.xlane v2, v0;
	_ =	sdelay $0x1  }
0x3a: {  	v2 =	vadd.s32 v1, v2;
	_ =	sdelay $0x3  }
0x3b: {  	s23 =	simm.s32 $0x4000  }
0x3c: {  	[tilespmem:s23], [sflag:$0x1] =	stream.indirect_vreg.gather [hbm4b:s1+s3], $0x80, v2, vm0, $0xb8;
	[tilespmem:$0x14000] =	vst v63  }
0x3d: {  	s24 =	simm.s32 $0x4800  }
0x3e: {  	[tilespmem:s24], [sflag:$0x1] =	stream.indirect_vreg.gather [hbm4b:s5+s3], $0x80, v2, vm0, $0xb8;
	[tilespmem:$0x14000] =	vst v63  }
0x3f: {  	s14 =	simm.s32 $0x5000  }
0x40: {  	[tilespmem:s14], [sflag:$0x1] =	stream.indirect_vreg.gather [hbm4b:s6+s3], $0x80, v2, vm0, $0xb8;
	[tilespmem:$0x14000] =	vst v63  }
0x41: {  	s16 =	simm.s32 $0x5800  }
0x42: {  	[tilespmem:s16], [sflag:$0x1] =	stream.indirect_vreg.gather [hbm4b:s7+s3], $0x80, v2, vm0, $0xb8;
	[tilespmem:$0x14000] =	vst v63  }
0x43: {  	v2 =	vld.msk [tilespmem:$0x80], $0x1;
	_ =	sdelay $0x4  }
0x44: {  	v3 =	vshll.u32 v2, $0x6  }
0x45: {  	v2 =	vand.u32 $0x7, v2;
	v3 =	vand.u32 $0xFFFFFE00, v3  }
0x46: {  	v2 =	vor.u32 v2, v3  }
0x47: {  	v2 =	vperm.xlane v2, v0;
	_ =	sdelay $0x1  }
0x48: {  	v2 =	vadd.s32 v1, v2;
	_ =	sdelay $0x3  }
0x49: {  	s17 =	simm.s32 $0x6000  }
0x4a: {  	[tilespmem:s17], [sflag:$0x2] =	stream.indirect_vreg.gather [hbm4b:s1+s3], $0x80, v2, vm0, $0xb8;
	[tilespmem:$0x14000] =	vst v63  }
0x4b: {  	s19 =	simm.s32 $0x6800  }
0x4c: {  	[tilespmem:s19], [sflag:$0x2] =	stream.indirect_vreg.gather [hbm4b:s5+s3], $0x80, v2, vm0, $0xb8;
	[tilespmem:$0x14000] =	vst v63  }
0x4d: {  	s20 =	simm.s32 $0x7000  }
0x4e: {  	[tilespmem:s20], [sflag:$0x2] =	stream.indirect_vreg.gather [hbm4b:s6+s3], $0x80, v2, vm0, $0xb8;
	[tilespmem:$0x14000] =	vst v63  }
0x4f: {  	s21 =	simm.s32 $0x7800  }
0x50: {  	[tilespmem:s21], [sflag:$0x2] =	stream.indirect_vreg.gather [hbm4b:s7+s3], $0x80, v2, vm0, $0xb8;
	[tilespmem:$0x14000] =	vst v63  }
0x51: {  	v2 =	vld.msk [tilespmem:$0x100], $0x1;
	_ =	sdelay $0x4  }
0x52: {  	v3 =	vshll.u32 v2, $0x6  }
0x53: {  	v2 =	vand.u32 $0x7, v2;
	v3 =	vand.u32 $0xFFFFFE00, v3  }
0x54: {  	v2 =	vor.u32 v2, v3  }
0x55: {  	v2 =	vperm.xlane v2, v0;
	_ =	sdelay $0x1  }
0x56: {  	v2 =	vadd.s32 v1, v2;
	_ =	sdelay $0x3  }
0x57: {  	s22 =	simm.s32 $0x8000  }
0x58: {  	[tilespmem:s22], [sflag:$0x3] =	stream.indirect_vreg.gather [hbm4b:s1+s3], $0x80, v2, vm0, $0xb8;
	[tilespmem:$0x14000] =	vst v63  }
0x59: {  	s23 =	simm.s32 $0x8800  }
0x5a: {  	[tilespmem:s23], [sflag:$0x3] =	stream.indirect_vreg.gather [hbm4b:s5+s3], $0x80, v2, vm0, $0xb8;
	[tilespmem:$0x14000] =	vst v63  }
0x5b: {  	s24 =	simm.s32 $0x9000  }
0x5c: {  	[tilespmem:s24], [sflag:$0x3] =	stream.indirect_vreg.gather [hbm4b:s6+s3], $0x80, v2, vm0, $0xb8;
	[tilespmem:$0x14000] =	vst v63  }
0x5d: {  	s14 =	simm.s32 $0x9800  }
0x5e: {  	[tilespmem:s14], [sflag:$0x3] =	stream.indirect_vreg.gather [hbm4b:s7+s3], $0x80, v2, vm0, $0xb8;
	[tilespmem:$0x14000] =	vst v63  }
0x5f: {  	v2 =	vld.msk [tilespmem:$0x180], $0x1;
	_ =	sdelay $0x4  }
0x60: {  	v3 =	vshll.u32 v2, $0x6  }
0x61: {  	v2 =	vand.u32 $0x7, v2;
	v3 =	vand.u32 $0xFFFFFE00, v3  }
0x62: {  	v2 =	vor.u32 v2, v3  }
0x63: {  	v2 =	vperm.xlane v2, v0;
	_ =	sdelay $0x1  }
0x64: {  	v2 =	vadd.s32 v1, v2;
	_ =	sdelay $0x3  }
0x65: {  	s16 =	simm.s32 $0xA000  }
0x66: {  	[tilespmem:s16], [sflag:$0x4] =	stream.indirect_vreg.gather [hbm4b:s1+s3], $0x80, v2, vm0, $0xb8;
	[tilespmem:$0x14000] =	vst v63  }
0x67: {  	s17 =	simm.s32 $0xA800  }
0x68: {  	[tilespmem:s17], [sflag:$0x4] =	stream.indirect_vreg.gather [hbm4b:s5+s3], $0x80, v2, vm0, $0xb8;
	[tilespmem:$0x14000] =	vst v63  }
0x69: {  	s19 =	simm.s32 $0xB000  }
0x6a: {  	[tilespmem:s19], [sflag:$0x4] =	stream.indirect_vreg.gather [hbm4b:s6+s3], $0x80, v2, vm0, $0xb8;
	[tilespmem:$0x14000] =	vst v63  }
0x6b: {  	s20 =	simm.s32 $0xB800  }
0x6c: {  	[tilespmem:s20], [sflag:$0x4] =	stream.indirect_vreg.gather [hbm4b:s7+s3], $0x80, v2, vm0, $0xb8;
	[tilespmem:$0x14000] =	vst v63  }
0x6d: {  	v2 =	vld.msk [tilespmem:$0x200], $0x1;
	_ =	sdelay $0x4  }
0x6e: {  	v3 =	vshll.u32 v2, $0x6  }
0x6f: {  	v2 =	vand.u32 $0x7, v2;
	v3 =	vand.u32 $0xFFFFFE00, v3  }
0x70: {  	v2 =	vor.u32 v2, v3  }
0x71: {  	v2 =	vperm.xlane v2, v0;
	_ =	sdelay $0x1  }
0x72: {  	v2 =	vadd.s32 v1, v2;
	_ =	sdelay $0x3  }
0x73: {  	s21 =	simm.s32 $0xC000  }
0x74: {  	[tilespmem:s21], [sflag:$0x5] =	stream.indirect_vreg.gather [hbm4b:s1+s3], $0x80, v2, vm0, $0xb8;
	[tilespmem:$0x14000] =	vst v63  }
0x75: {  	s22 =	simm.s32 $0xC800  }
0x76: {  	[tilespmem:s22], [sflag:$0x5] =	stream.indirect_vreg.gather [hbm4b:s5+s3], $0x80, v2, vm0, $0xb8;
	[tilespmem:$0x14000] =	vst v63  }
0x77: {  	s23 =	simm.s32 $0xD000  }
0x78: {  	[tilespmem:s23], [sflag:$0x5] =	stream.indirect_vreg.gather [hbm4b:s6+s3], $0x80, v2, vm0, $0xb8;
	[tilespmem:$0x14000] =	vst v63  }
0x79: {  	s30 =	simm.s32 $0x600;
	s31 =	simm.s32 $0x0;
	s24 =	simm.s32 $0xD800  }
0x7a: {  	[tilespmem:s24], [sflag:$0x5] =	stream.indirect_vreg.gather [hbm4b:s7+s3], $0x80, v2, vm0, $0xb8;
	[tilespmem:$0x14000] =	vst v63  }
.LBB2_2:
0x7b: {  	_ =	swait.ge [sflag:s0], $0x2000  }
0x7c: {  	s19 =	sadd.s32 s31, s9;
	p0 =	seq.s32 s31, $0x0;
	[sflag:s0] =	ssyncset.done $0x0  }
0x7d: {  	s4 =	simm.s32 $0x4000;
	s14 =	simm.s32 @!p0 $0xE;
	[sflag:s0] =	ssyncadd.s32 $0xFFFFE000  }
0x7e: {  	[hbm4b:s19+s2] =	stream.strided.scatter [tilespmem:s4], [sflag:$0x9], $0x2000, s12, s2, $0x38;
	[tilespmem:$0x14000] =	vst v63  }
0x7f: {  	_ =	swait.ge @!p0 [sflag:s14], $0x2000  }
0x80: {  	[sflag:s14] =	ssyncset.done @!p0 $0x0  }
0x81: {  	[sflag:s14] =	ssyncadd.s32 @!p0 $0xFFFFE000  }
0x82: {  	v2 =	vld.msk [tilespmem:s30+$0xFFFFFC80], $0x1;
	_ =	sdelay $0x4  }
0x83: {  	v3 =	vshll.u32 v2, $0x6  }
0x84: {  	v2 =	vand.u32 $0x7, v2;
	v3 =	vand.u32 $0xFFFFFE00, v3  }
0x85: {  	v2 =	vor.u32 v2, v3  }
0x86: {  	v2 =	vperm.xlane v2, v0;
	_ =	sdelay $0x1  }
0x87: {  	v2 =	vadd.s32 v1, v2;
	_ =	sdelay $0x4  }
0x88: {  	[tilespmem:s13], [sflag:$0x6] =	stream.indirect_vreg.gather [hbm4b:s1+s3], $0x80, v2, vm0, $0xb8;
	[tilespmem:$0x14000] =	vst v63  }
0x89: {  	s22 =	simm.s32 $0xE800  }
0x8a: {  	[tilespmem:s22], [sflag:$0x6] =	stream.indirect_vreg.gather [hbm4b:s5+s3], $0x80, v2, vm0, $0xb8;
	[tilespmem:$0x14000] =	vst v63  }
0x8b: {  	s23 =	simm.s32 $0xF000  }
0x8c: {  	[tilespmem:s23], [sflag:$0x6] =	stream.indirect_vreg.gather [hbm4b:s6+s3], $0x80, v2, vm0, $0xb8;
	[tilespmem:$0x14000] =	vst v63  }
0x8d: {  	s24 =	simm.s32 $0xF800  }
0x8e: {  	[tilespmem:s24], [sflag:$0x6] =	stream.indirect_vreg.gather [hbm4b:s7+s3], $0x80, v2, vm0, $0xb8;
	[tilespmem:$0x14000] =	vst v63  }
0x8f: {  	_ =	swait.ge [sflag:s18], $0x2000  }
0x90: {  	s16 =	simm.s32 $0x6000;
	[sflag:s18] =	ssyncset.done $0x0  }
0x91: {  	s4 =	sadd.s32 $0x10, s19;
	s14 =	simm.s32 @!p0 $0xF;
	[sflag:s18] =	ssyncadd.s32 $0xFFFFE000  }
0x92: {  	[hbm4b:s4+s2] =	stream.strided.scatter [tilespmem:s16], [sflag:$0xA], $0x2000, s12, s2, $0x38;
	[tilespmem:$0x14000] =	vst v63  }
0x93: {  	_ =	swait.ge @!p0 [sflag:s14], $0x2000  }
0x94: {  	[sflag:s14] =	ssyncset.done @!p0 $0x0  }
0x95: {  	[sflag:s14] =	ssyncadd.s32 @!p0 $0xFFFFE000  }
0x96: {  	v2 =	vld.msk [tilespmem:s30+$0xFFFFFD00], $0x1;
	_ =	sdelay $0x4  }
0x97: {  	v3 =	vshll.u32 v2, $0x6  }
0x98: {  	v2 =	vand.u32 $0x7, v2;
	v3 =	vand.u32 $0xFFFFFE00, v3  }
0x99: {  	v2 =	vor.u32 v2, v3  }
0x9a: {  	v2 =	vperm.xlane v2, v0;
	_ =	sdelay $0x1  }
0x9b: {  	v2 =	vadd.s32 v1, v2;
	_ =	sdelay $0x3  }
0x9c: {  	s17 =	simm.s32 $0x10000  }
0x9d: {  	[tilespmem:s17], [sflag:$0x7] =	stream.indirect_vreg.gather [hbm4b:s1+s3], $0x80, v2, vm0, $0xb8;
	[tilespmem:$0x14000] =	vst v63  }
0x9e: {  	s20 =	simm.s32 $0x10800  }
0x9f: {  	[tilespmem:s20], [sflag:$0x7] =	stream.indirect_vreg.gather [hbm4b:s5+s3], $0x80, v2, vm0, $0xb8;
	[tilespmem:$0x14000] =	vst v63  }
0xa0: {  	s21 =	simm.s32 $0x11000  }
0xa1: {  	[tilespmem:s21], [sflag:$0x7] =	stream.indirect_vreg.gather [hbm4b:s6+s3], $0x80, v2, vm0, $0xb8;
	[tilespmem:$0x14000] =	vst v63  }
0xa2: {  	s22 =	simm.s32 $0x11800  }
0xa3: {  	[tilespmem:s22], [sflag:$0x7] =	stream.indirect_vreg.gather [hbm4b:s7+s3], $0x80, v2, vm0, $0xb8;
	[tilespmem:$0x14000] =	vst v63  }
0xa4: {  	_ =	swait.ge [sflag:s25], $0x2000  }
0xa5: {  	s23 =	sadd.s32 $0x20, s19;
	[sflag:s25] =	ssyncset.done $0x0  }
0xa6: {  	s24 =	simm.s32 $0x8000;
	s14 =	simm.s32 @!p0 $0x10;
	[sflag:s25] =	ssyncadd.s32 $0xFFFFE000  }
0xa7: {  	[hbm4b:s23+s2] =	stream.strided.scatter [tilespmem:s24], [sflag:$0xB], $0x2000, s12, s2, $0x38;
	[tilespmem:$0x14000] =	vst v63  }
0xa8: {  	_ =	swait.ge @!p0 [sflag:s14], $0x2000  }
0xa9: {  	[sflag:s14] =	ssyncset.done @!p0 $0x0  }
0xaa: {  	[sflag:s14] =	ssyncadd.s32 @!p0 $0xFFFFE000  }
0xab: {  	v2 =	vld.msk [tilespmem:s30+$0xFFFFFD80], $0x1;
	_ =	sdelay $0x4  }
0xac: {  	v3 =	vshll.u32 v2, $0x6  }
0xad: {  	v2 =	vand.u32 $0x7, v2;
	v3 =	vand.u32 $0xFFFFFE00, v3  }
0xae: {  	v2 =	vor.u32 v2, v3  }
0xaf: {  	v2 =	vperm.xlane v2, v0;
	_ =	sdelay $0x1  }
0xb0: {  	v2 =	vadd.s32 v1, v2;
	_ =	sdelay $0x4  }
0xb1: {  	[tilespmem:s26], [sflag:$0x8] =	stream.indirect_vreg.gather [hbm4b:s1+s3], $0x80, v2, vm0, $0xb8;
	[tilespmem:$0x14000] =	vst v63  }
0xb2: {  	s14 =	simm.s32 $0x12800  }
0xb3: {  	[tilespmem:s14], [sflag:$0x8] =	stream.indirect_vreg.gather [hbm4b:s5+s3], $0x80, v2, vm0, $0xb8;
	[tilespmem:$0x14000] =	vst v63  }
0xb4: {  	_ = 	snop  }
0xb5: {  	[tilespmem:s8], [sflag:$0x8] =	stream.indirect_vreg.gather [hbm4b:s6+s3], $0x80, v2, vm0, $0xb8;
	[tilespmem:$0x14000] =	vst v63  }
0xb6: {  	_ = 	snop  }
0xb7: {  	[tilespmem:s10], [sflag:$0x8] =	stream.indirect_vreg.gather [hbm4b:s7+s3], $0x80, v2, vm0, $0xb8;
	[tilespmem:$0x14000] =	vst v63  }
0xb8: {  	_ =	swait.ge [sflag:s11], $0x2000  }
0xb9: {  	s16 =	sadd.s32 $0x30, s19;
	[sflag:s11] =	ssyncset.done $0x0  }
0xba: {  	s17 =	simm.s32 $0xA000;
	p0 =	seq.s32 s31, $0x1E000;
	[sflag:s11] =	ssyncadd.s32 $0xFFFFE000  }
0xbb: {  	[hbm4b:s16+s2] =	stream.strided.scatter [tilespmem:s17], [sflag:$0xC], $0x2000, s12, s2, $0x38;
	[tilespmem:$0x14000] =	vst v63  }
0xbc: {  	s16 =	simm.s32 @p0 $0x5  }
0xbd: {  	s14 =	sadd.s32 @p0 s31, s9;
	_ =	swait.ge @p0 [sflag:s16], $0x2000  }
0xbe: {  	s20 =	simm.s32 @p0 $0xC000;
	s23 =	sadd.s32 @p0 $0x40, s14;
	[sflag:s16] =	ssyncset.done @p0 $0x0  }
0xbf: {  	s17 =	simm.s32 @p0 $0x400;
	[sflag:s16] =	ssyncadd.s32 @p0 $0xFFFFE000;
	s16 =	simm.s32 @p0 $0x80  }
0xc0: {  	[hbm4b:s23+s16] =	stream.strided.scatter @p0 [tilespmem:s20], [sflag:$0xD], $0x2000, s17, s16, $0x38;
	[tilespmem:$0x14000] =	vst v63  }
0xc1: {  	s20 =	simm.s32 @!p0 $0x9  }
0xc2: {  	_ =	swait.ge @!p0 [sflag:s20], $0x2000  }
0xc3: {  	[sflag:s20] =	ssyncset.done @!p0 $0x0  }
0xc4: {  	[sflag:s20] =	ssyncadd.s32 @!p0 $0xFFFFE000  }
0xc5: {  	v2 =	vld.msk @!p0 [tilespmem:s30+$0xFFFFFE00], $0x1;
	_ =	sdelay $0x4  }
0xc6: {  	v3 =	vshll.u32 @!p0 v2, $0x6  }
0xc7: {  	v2 =	vand.u32 @!p0 $0x7, v2;
	v3 =	vand.u32 @!p0 $0xFFFFFE00, v3  }
0xc8: {  	v4 =	vlaneseq.u32 @!p0;
	v2 =	vor.u32 @!p0 v2, v3;
	v3 =	vimm.s32 @!p0 $0x0  }
0xc9: {  	v4 =	vmul.u32 @!p0 $0x8, v4;
	v2 =	vperm.xlane @!p0 v2, v3;
	_ =	sdelay $0x1  }
0xca: {  	v2 =	vadd.s32 @!p0 v4, v2;
	_ =	sdelay $0x3  }
0xcb: {  	vm1 =	vmmov @!p0 $0xffff;
	s23 =	simm.s32 @!p0 $0x0;
	s20 =	simm.s32 @!p0 $0x4000  }
0xcc: {  	[tilespmem:s20], [sflag:$0x1] =	stream.indirect_vreg.gather @!p0 [hbm4b:s1+s23], $0x80, v2, vm1, $0xb8;
	[tilespmem:$0x14000] =	vst v63  }
0xcd: {  	s20 =	simm.s32 @!p0 $0x4800  }
0xce: {  	[tilespmem:s20], [sflag:$0x1] =	stream.indirect_vreg.gather @!p0 [hbm4b:s5+s23], $0x80, v2, vm1, $0xb8;
	[tilespmem:$0x14000] =	vst v63  }
0xcf: {  	s20 =	simm.s32 @!p0 $0x5000  }
0xd0: {  	[tilespmem:s20], [sflag:$0x1] =	stream.indirect_vreg.gather @!p0 [hbm4b:s6+s23], $0x80, v2, vm1, $0xb8;
	[tilespmem:$0x14000] =	vst v63  }
0xd1: {  	s20 =	simm.s32 @!p0 $0x5800  }
0xd2: {  	[tilespmem:s20], [sflag:$0x1] =	stream.indirect_vreg.gather @!p0 [hbm4b:s7+s23], $0x80, v2, vm1, $0xb8;
	[tilespmem:$0x14000] =	vst v63  }
0xd3: {  	s20 =	simm.s32 @!p0 $0x5  }
0xd4: {  	s21 =	sadd.s32 @!p0 s31, s9;
	_ =	swait.ge @!p0 [sflag:s20], $0x2000  }
0xd5: {  	s22 =	simm.s32 @!p0 $0x80;
	s24 =	simm.s32 @!p0 $0x400;
	[sflag:s20] =	ssyncset.done @!p0 $0x0  }
0xd6: {  	s4 =	simm.s32 @!p0 $0xC000;
	[sflag:s20] =	ssyncadd.s32 @!p0 $0xFFFFE000;
	s20 =	sadd.s32 @!p0 $0x40, s21  }
0xd7: {  	[hbm4b:s20+s22] =	stream.strided.scatter @!p0 [tilespmem:s4], [sflag:$0xD], $0x2000, s24, s22, $0x38;
	[tilespmem:$0x14000] =	vst v63  }
0xd8: {  	s4 =	simm.s32 @!p0 $0xA  }
0xd9: {  	_ =	swait.ge @!p0 [sflag:s4], $0x2000  }
0xda: {  	[sflag:s4] =	ssyncset.done @!p0 $0x0  }
0xdb: {  	[sflag:s4] =	ssyncadd.s32 @!p0 $0xFFFFE000  }
0xdc: {  	v2 =	vld.msk @!p0 [tilespmem:s30+$0xFFFFFE80], $0x1;
	_ =	sdelay $0x4  }
0xdd: {  	v5 =	vshll.u32 @!p0 v2, $0x6  }
0xde: {  	v2 =	vand.u32 @!p0 $0x7, v2;
	v5 =	vand.u32 @!p0 $0xFFFFFE00, v5  }
0xdf: {  	v2 =	vor.u32 @!p0 v2, v5  }
0xe0: {  	v2 =	vperm.xlane @!p0 v2, v3;
	_ =	sdelay $0x1  }
0xe1: {  	v2 =	vadd.s32 @!p0 v4, v2;
	_ =	sdelay $0x3  }
0xe2: {  	s4 =	simm.s32 @!p0 $0x6000  }
0xe3: {  	[tilespmem:s4], [sflag:$0x2] =	stream.indirect_vreg.gather @!p0 [hbm4b:s1+s23], $0x80, v2, vm1, $0xb8;
	[tilespmem:$0x14000] =	vst v63  }
0xe4: {  	s4 =	simm.s32 @!p0 $0x6800  }
0xe5: {  	[tilespmem:s4], [sflag:$0x2] =	stream.indirect_vreg.gather @!p0 [hbm4b:s5+s23], $0x80, v2, vm1, $0xb8;
	[tilespmem:$0x14000] =	vst v63  }
0xe6: {  	s4 =	simm.s32 @!p0 $0x7000  }
0xe7: {  	[tilespmem:s4], [sflag:$0x2] =	stream.indirect_vreg.gather @!p0 [hbm4b:s6+s23], $0x80, v2, vm1, $0xb8;
	[tilespmem:$0x14000] =	vst v63  }
0xe8: {  	s4 =	simm.s32 @!p0 $0x7800  }
0xe9: {  	[tilespmem:s4], [sflag:$0x2] =	stream.indirect_vreg.gather @!p0 [hbm4b:s7+s23], $0x80, v2, vm1, $0xb8;
	[tilespmem:$0x14000] =	vst v63  }
0xea: {  	_ =	swait.ge [sflag:s15], $0x2000  }
0xeb: {  	[sflag:s15] =	ssyncset.done $0x0  }
0xec: {  	s20 =	sadd.s32 $0x50, s19;
	s4 =	simm.s32 @p0 $0x7;
	[sflag:s15] =	ssyncadd.s32 $0xFFFFE000  }
0xed: {  	[hbm4b:s20+s2] =	stream.strided.scatter [tilespmem:s13], [sflag:$0xE], $0x2000, s12, s2, $0x38;
	[tilespmem:$0x14000] =	vst v63  }
0xee: {  	_ =	swait.ge @p0 [sflag:s4], $0x2000  }
0xef: {  	[sflag:s4] =	ssyncset.done @p0 $0x0  }
0xf0: {  	[sflag:s4] =	ssyncadd.s32 @p0 $0xFFFFE000;
	s4 =	sadd.s32 @p0 $0x60, s14;
	s14 =	simm.s32 @p0 $0x10000  }
0xf1: {  	[hbm4b:s4+s16] =	stream.strided.scatter @p0 [tilespmem:s14], [sflag:$0xF], $0x2000, s17, s16, $0x38;
	[tilespmem:$0x14000] =	vst v63  }
0xf2: {  	s4 =	simm.s32 @!p0 $0xB  }
0xf3: {  	_ =	swait.ge @!p0 [sflag:s4], $0x2000  }
0xf4: {  	[sflag:s4] =	ssyncset.done @!p0 $0x0  }
0xf5: {  	[sflag:s4] =	ssyncadd.s32 @!p0 $0xFFFFE000  }
0xf6: {  	v2 =	vld.msk @!p0 [tilespmem:s30+$0xFFFFFF00], $0x1;
	_ =	sdelay $0x4  }
0xf7: {  	v5 =	vshll.u32 @!p0 v2, $0x6  }
0xf8: {  	v2 =	vand.u32 @!p0 $0x7, v2;
	v5 =	vand.u32 @!p0 $0xFFFFFE00, v5  }
0xf9: {  	v2 =	vor.u32 @!p0 v2, v5  }
0xfa: {  	v2 =	vperm.xlane @!p0 v2, v3;
	_ =	sdelay $0x1  }
0xfb: {  	v2 =	vadd.s32 @!p0 v4, v2;
	_ =	sdelay $0x3  }
0xfc: {  	s4 =	simm.s32 @!p0 $0x8000  }
0xfd: {  	[tilespmem:s4], [sflag:$0x3] =	stream.indirect_vreg.gather @!p0 [hbm4b:s1+s23], $0x80, v2, vm1, $0xb8;
	[tilespmem:$0x14000] =	vst v63  }
0xfe: {  	s4 =	simm.s32 @!p0 $0x8800  }
0xff: {  	[tilespmem:s4], [sflag:$0x3] =	stream.indirect_vreg.gather @!p0 [hbm4b:s5+s23], $0x80, v2, vm1, $0xb8;
	[tilespmem:$0x14000] =	vst v63  }
0x100: {  	s4 =	simm.s32 @!p0 $0x9000  }
0x101: {  	[tilespmem:s4], [sflag:$0x3] =	stream.indirect_vreg.gather @!p0 [hbm4b:s6+s23], $0x80, v2, vm1, $0xb8;
	[tilespmem:$0x14000] =	vst v63  }
0x102: {  	s4 =	simm.s32 @!p0 $0x9800  }
0x103: {  	[tilespmem:s4], [sflag:$0x3] =	stream.indirect_vreg.gather @!p0 [hbm4b:s7+s23], $0x80, v2, vm1, $0xb8;
	[tilespmem:$0x14000] =	vst v63  }
0x104: {  	s4 =	simm.s32 @!p0 $0x7  }
0x105: {  	_ =	swait.ge @!p0 [sflag:s4], $0x2000  }
0x106: {  	[sflag:s4] =	ssyncset.done @!p0 $0x0  }
0x107: {  	s14 =	simm.s32 @!p0 $0x10000;
	[sflag:s4] =	ssyncadd.s32 @!p0 $0xFFFFE000;
	s4 =	sadd.s32 @!p0 $0x60, s21  }
0x108: {  	[hbm4b:s4+s22] =	stream.strided.scatter @!p0 [tilespmem:s14], [sflag:$0xF], $0x2000, s24, s22, $0x38;
	[tilespmem:$0x14000] =	vst v63  }
0x109: {  	s4 =	simm.s32 @!p0 $0xC  }
0x10a: {  	_ =	swait.ge @!p0 [sflag:s4], $0x2000  }
0x10b: {  	[sflag:s4] =	ssyncset.done @!p0 $0x0  }
0x10c: {  	[sflag:s4] =	ssyncadd.s32 @!p0 $0xFFFFE000  }
0x10d: {  	v2 =	vld.msk @!p0 [tilespmem:s30+$0xFFFFFF80], $0x1;
	_ =	sdelay $0x4  }
0x10e: {  	v5 =	vshll.u32 @!p0 v2, $0x6  }
0x10f: {  	v2 =	vand.u32 @!p0 $0x7, v2;
	v5 =	vand.u32 @!p0 $0xFFFFFE00, v5  }
0x110: {  	v2 =	vor.u32 @!p0 v2, v5  }
0x111: {  	v2 =	vperm.xlane @!p0 v2, v3;
	_ =	sdelay $0x1  }
0x112: {  	v2 =	vadd.s32 @!p0 v4, v2;
	_ =	sdelay $0x3  }
0x113: {  	s4 =	simm.s32 @!p0 $0xA000  }
0x114: {  	[tilespmem:s4], [sflag:$0x4] =	stream.indirect_vreg.gather @!p0 [hbm4b:s1+s23], $0x80, v2, vm1, $0xb8;
	[tilespmem:$0x14000] =	vst v63  }
0x115: {  	s4 =	simm.s32 @!p0 $0xA800  }
0x116: {  	[tilespmem:s4], [sflag:$0x4] =	stream.indirect_vreg.gather @!p0 [hbm4b:s5+s23], $0x80, v2, vm1, $0xb8;
	[tilespmem:$0x14000] =	vst v63  }
0x117: {  	s4 =	simm.s32 @!p0 $0xB000  }
0x118: {  	[tilespmem:s4], [sflag:$0x4] =	stream.indirect_vreg.gather @!p0 [hbm4b:s6+s23], $0x80, v2, vm1, $0xb8;
	[tilespmem:$0x14000] =	vst v63  }
0x119: {  	s4 =	simm.s32 @!p0 $0xB800  }
0x11a: {  	[tilespmem:s4], [sflag:$0x4] =	stream.indirect_vreg.gather @!p0 [hbm4b:s7+s23], $0x80, v2, vm1, $0xb8;
	[tilespmem:$0x14000] =	vst v63  }
.Ltmp2:
0x11b: {  	_ = 	snop;
	(pc) =	sbr.rel @p0 .LBB2_4-.Ltmp2, $4  }
0x11c: {  	_ =	swait.ge [sflag:s28], $0x2000  }
0x11d: {  	[sflag:s28] =	ssyncset.done $0x0  }
0x11e: {  	s24 =	sadd.s32 $0x70, s19;
	[sflag:s28] =	ssyncadd.s32 $0xFFFFE000  }
0x11f: {  	[hbm4b:s24+s2] =	stream.strided.scatter [tilespmem:s26], [sflag:$0x10], $0x2000, s12, s2, $0x38;
	[tilespmem:$0x14000] =	vst v63  }
0x120: {  	_ =	swait.ge [sflag:s29], $0x2000  }
0x121: {  	[sflag:s29] =	ssyncset.done $0x0  }
0x122: {  	[sflag:s29] =	ssyncadd.s32 $0xFFFFE000  }
0x123: {  	v2 =	vld.msk [tilespmem:s30+$0x0], $0x1;
	_ =	sdelay $0x4  }
0x124: {  	v3 =	vshll.u32 v2, $0x6  }
0x125: {  	v2 =	vand.u32 $0x7, v2;
	v3 =	vand.u32 $0xFFFFFE00, v3  }
0x126: {  	v2 =	vor.u32 v2, v3  }
0x127: {  	v2 =	vperm.xlane v2, v0;
	_ =	sdelay $0x1  }
0x128: {  	v2 =	vadd.s32 v1, v2;
	_ =	sdelay $0x3  }
0x129: {  	s4 =	simm.s32 $0xC000  }
0x12a: {  	[tilespmem:s4], [sflag:$0x5] =	stream.indirect_vreg.gather [hbm4b:s1+s3], $0x80, v2, vm0, $0xb8;
	[tilespmem:$0x14000] =	vst v63  }
0x12b: {  	s22 =	simm.s32 $0xC800  }
0x12c: {  	[tilespmem:s22], [sflag:$0x5] =	stream.indirect_vreg.gather [hbm4b:s5+s3], $0x80, v2, vm0, $0xb8;
	[tilespmem:$0x14000] =	vst v63  }
.Ltmp3:
0x12d: {  	_ = 	snop;
	(pc) =	sbr.rel .LBB2_2-.Ltmp3, $4  }
0x12e: {  	s23 =	simm.s32 $0xD000  }
0x12f: {  	[tilespmem:s23], [sflag:$0x5] =	stream.indirect_vreg.gather [hbm4b:s6+s3], $0x80, v2, vm0, $0xb8;
	[tilespmem:$0x14000] =	vst v63  }
0x130: {  	s24 =	simm.s32 $0xD800;
	s31 =	sadd.s32 $0x2000, s31;
	s30 =	sadd.s32 $0x400, s30  }
0x131: {  	[tilespmem:s24], [sflag:$0x5] =	stream.indirect_vreg.gather [hbm4b:s7+s3], $0x80, v2, vm0, $0xb8;
	[tilespmem:$0x14000] =	vst v63  }
.LBB2_5:
0x132: {  	_ =	sfence.sel $0x180000  }
0x133: {  	[bflag:$0x0] =	sbarrier.arrive $0xFFFF  }
0x134: {  	_ =	strace $0x90000047  }
0x135: {  	s0 =	stileid.u32;
	[bflag:$0x2] =	sbarrier.arrive $0xFFFF  }
0x136: {  	p0 =	sne.s32 s0, $0x0;
	s0 =	rddreg [dreg:$0x3]  }
0x137: {  	s0 =	sadd.s32 @!p0 $0x100000, s0  }
0x138: {  	[sflag:s0] =	ssyncadd.tile.s32 @!p0 $0x1;
	_ =	shalt  }
.Lfunc_end2:
_tile_overlayer_lowered:
.L_overlay_start_2:
0x139: {  	(tag) =	ssettag $0x2  }
0x13a: {  	s0 =	rddreg [dreg:$0x0];
	s2 =	stileid.u32  }
0x13b: {  	s1 =	rddreg [dreg:$0x1];
	p0 =	sne.s32 s2, $0x0  }
0x13c: {  	s3 =	rddreg [dreg:$0x2];
	[bflag:$0x3] =	sbarrier.arrive $0xFFFF;
	s2 =	simm.s32 @!p0 $0x1C11  }
0x13d: {  	[timem:s3], [sflag:s2] =	dma.local @!p0 [hbm:s0], s1  }
0x13e: {  	s0 =	simm.s32 @!p0 $0x11  }
0x13f: {  	_ =	swait.ge @!p0 [sflag:s0], s1  }
0x140: {  	s1 =	ssub.s32 @!p0 $0x0, s1;
	[sflag:s0] =	ssyncset.done @!p0 $0x0  }
0x141: {  	[sflag:s0] =	ssyncadd.s32 @!p0 s1  }
0x142: {  	[bflag:$0x3] =	sbarrier.arrive $0xFFFF  }
0x143: {  	_ =	shalt  }

</sc_bundles>
